<compile_context>
chip_gen: v7x
topology: tpu7x:2x2x1
jax: 0.10.2.dev20260603
libtpu: 0.0.44.dev20260713+nightly
codegen_flags: <defaults>
</compile_context>

<pallas_src>
import dataclasses

import jax
import jax.numpy as jnp
from jax import lax
from jax.experimental import pallas as pl
from jax.experimental.pallas import tpu as pltpu
from jax.experimental.pallas import tpu_sc as plsc

_f32 = jnp.float32

N = 10000
E = 320000
D = 128
C = 128

NC = 2
NS = 16
NW = NC * NS
CH = 128
KT = -(-E // (NS * CH))
KC0 = 88
KC1 = KT - KC0
E_PAD = NS * KT * CH
E_ALLOC = E_PAD
N_PAD = 10112
RPT = N_PAD // NS


def _sc_segsum(x, eidx, zrows, with_counts):
    mesh = plsc.VectorSubcoreMesh(core_axis_name="c", subcore_axis_name="s")
    out_type = [jax.ShapeDtypeStruct((NC, N_PAD, D), _f32)]
    scratch = [
        pltpu.MemorySpace.VMEM_SHARED((N_PAD, D), _f32),
        pltpu.VMEM((max(KC0, KC1), 2, CH), jnp.int32),
        pltpu.VMEM((CH, D), _f32),
    ]
    if with_counts:
        out_type.append(jax.ShapeDtypeStruct((NW, N_PAD), _f32))
        scratch.append(pltpu.VMEM((N_PAD,), _f32))

    def body(*refs):
        if with_counts:
            (x_hbm, eidx_hbm, zr_hbm,
             out_sum, out_cnt, acc, eidx_v, rows0, cnt_v) = refs
        else:
            (x_hbm, eidx_hbm, zr_hbm,
             out_sum, acc, eidx_v, rows0) = refs
        stripe = rows0
        cid = lax.axis_index("c")
        sid = lax.axis_index("s")
        wid = sid * NC + cid
        r0 = sid * RPT
        pieces = [(o, min(CH, RPT - o)) for o in range(0, RPT, CH)]
        pltpu.sync_copy(zr_hbm, stripe)
        for o, l in pieces:
            pltpu.sync_copy(stripe.at[pl.ds(0, l)], acc.at[pl.ds(r0 + o, l)])
        if with_counts:
            zero16 = jnp.zeros((16,), _f32)

            @pl.loop(0, N_PAD // 16)
            def _(i):
                cnt_v[pl.ds(i * 16, 16)] = zero16

        plsc.subcore_barrier()
        nchunks = jnp.where(cid == 0, KC0, KC1)
        g0 = jnp.where(cid == 0, sid * KC0, NS * KC0 + sid * KC1)
        ones16 = jnp.ones((16,), _f32)

        pltpu.sync_copy(eidx_hbm.at[pl.ds(g0, max(KC0, KC1))], eidx_v)

        @pl.loop(0, nchunks)
        def _(i):
            pltpu.sync_copy(x_hbm.at[eidx_v.at[i, 0]], rows0)
            pltpu.sync_copy(rows0, acc.at[eidx_v.at[i, 1]], add=True)
            if with_counts:
                for j in range(CH // 16):
                    dvals = eidx_v[i, 1, pl.ds(j * 16, 16)]
                    plsc.addupdate_scatter(cnt_v, [dvals], ones16)

        plsc.subcore_barrier()
        for o, l in pieces:
            pltpu.sync_copy(acc.at[pl.ds(r0 + o, l)], stripe.at[pl.ds(0, l)])
            pltpu.sync_copy(stripe.at[pl.ds(0, l)],
                            out_sum.at[cid, pl.ds(r0 + o, l)])
        if with_counts:
            pltpu.sync_copy(cnt_v, out_cnt.at[wid])

    cp = pltpu.CompilerParams()
    if "needs_layout_passes" in pltpu.CompilerParams.__dataclass_fields__:
        cp = dataclasses.replace(cp, needs_layout_passes=False)
    kfn = pl.kernel(body, out_type=tuple(out_type), mesh=mesh,
                    scratch_types=tuple(scratch), compiler_params=cp)
    if with_counts:
        return kfn(x, eidx, zrows)
    return kfn(x, eidx, zrows)[0]


def _bn_relu(h, g, be):
    mu = jnp.mean(h, axis=0, keepdims=True)
    var = jnp.mean((h - mu) ** 2, axis=0, keepdims=True)
    return jnp.maximum(g * (h - mu) / jnp.sqrt(var + 1e-5) + be, 0.0)


def _tc_layer1(sum1, cnt32, x, wl, bl, wr, br, g, be):
    def body(sum_ref, cnt_ref, x_ref, wl_ref, bl_ref, wr_ref, br_ref,
             g_ref, be_ref, h_ref, c_ref):
        t = sum_ref[...]
        s = (t[0] + t[1])[:N]
        cnt = jnp.sum(cnt_ref[...], axis=0)[:N]
        c = jnp.maximum(cnt, 1.0)
        mean = s / c[:, None]
        pre = (jnp.dot(mean, wl_ref[...], preferred_element_type=_f32)
               + jnp.dot(x_ref[...], wr_ref[...], preferred_element_type=_f32)
               + bl_ref[...] + br_ref[...])
        h_ref[...] = _bn_relu(pre, g_ref[...], be_ref[...])
        c_ref[...] = c[:, None]

    return pl.pallas_call(
        body,
        out_shape=(jax.ShapeDtypeStruct((N, D), _f32),
                   jax.ShapeDtypeStruct((N, 1), _f32)),
    )(sum1, cnt32, x, wl, bl, wr, br, g, be)


def _tc_rest(sum2, cnt, h1, wl, bl, wr, br, g, be,
             wm1, bm1, gm, bem, wm2, bm2, y2):
    def body(sum_ref, cnt_ref, h1_ref, wl_ref, bl_ref, wr_ref, br_ref,
             g_ref, be_ref, wm1_ref, bm1_ref, gm_ref, bem_ref,
             wm2_ref, bm2_ref, y_ref, o_ref):
        t = sum_ref[...]
        s = (t[0] + t[1])[:N]
        mean = s / cnt_ref[...]
        h = (jnp.dot(mean, wl_ref[...], preferred_element_type=_f32)
             + jnp.dot(h1_ref[...], wr_ref[...], preferred_element_type=_f32)
             + bl_ref[...] + br_ref[...])
        h = _bn_relu(h, g_ref[...], be_ref[...])
        h = jnp.dot(h, wm1_ref[...], preferred_element_type=_f32) + bm1_ref[...]
        h = _bn_relu(h, gm_ref[...], bem_ref[...])
        logits = (jnp.dot(h, wm2_ref[...], preferred_element_type=_f32)
                  + bm2_ref[...])
        m = jnp.max(logits, axis=1, keepdims=True)
        lse = m[:, 0] + jnp.log(jnp.sum(jnp.exp(logits - m), axis=1))
        cls = lax.broadcasted_iota(jnp.int32, (N, C), 1)
        picked = jnp.sum(jnp.where(cls == y_ref[...], logits, 0.0), axis=1)
        o_ref[...] = jnp.mean(lse - picked).reshape(1, 1)

    return pl.pallas_call(
        body,
        out_shape=jax.ShapeDtypeStruct((1, 1), _f32),
    )(sum2, cnt, h1, wl, bl, wr, br, g, be, wm1, bm1, gm, bem, wm2, bm2, y2)


def kernel(x, edge_index, y, W_l1, b_l1, W_r1, b_r1, g1, be1,
           W_l2, b_l2, W_r2, b_r2, g2, be2,
           Wm1, bm1, gm, bem, Wm2, bm2):
    src = edge_index[0]
    dst = edge_index[1]
    npad = E_ALLOC - E
    src_p = jnp.concatenate([src, jnp.zeros((npad,), jnp.int32)])
    dst_p = jnp.concatenate([dst, jnp.full((npad,), N, jnp.int32)])
    eidx = jnp.stack([src_p.reshape(NS * KT, CH),
                      dst_p.reshape(NS * KT, CH)], axis=1)
    tail = max(KC0, KC1) - min(KC0, KC1)
    eidx = jnp.concatenate(
        [eidx, jnp.zeros((tail, 2, CH), jnp.int32)], axis=0)
    zrows = jnp.zeros((CH, D), _f32)

    sum1, cnt32 = _sc_segsum(x, eidx, zrows, True)
    h1, cnt = _tc_layer1(sum1, cnt32, x,
                         W_l1, b_l1.reshape(1, -1), W_r1, b_r1.reshape(1, -1),
                         g1.reshape(1, -1), be1.reshape(1, -1))
    sum2 = _sc_segsum(h1, eidx, zrows, False)
    loss = _tc_rest(sum2, cnt, h1,
                    W_l2, b_l2.reshape(1, -1), W_r2, b_r2.reshape(1, -1),
                    g2.reshape(1, -1), be2.reshape(1, -1),
                    Wm1, bm1.reshape(1, -1), gm.reshape(1, -1),
                    bem.reshape(1, -1), Wm2, bm2.reshape(1, -1),
                    y.reshape(-1, 1))
    return loss[0, 0]

# --- scband reference (transcript-rebuilt; emitter-appended) ---
"""Pipeline reference for scband-gnn-51573967290999 (READ-ONLY COPY).

The authoritative reference and input builder live on the scoring server;
editing this copy changes nothing except your own understanding.
"""

import jax, jax.numpy as jnp
import numpy as np

N = 10000
E = 320000
D = 128
H = 128
C = 128


def batchnorm(h, g, b):
    mean = jnp.mean(h, axis=0)
    var = jnp.var(h, axis=0)
    return g * (h - mean) / jnp.sqrt(var + 1e-5) + b


def sage_conv(x_src, x_dst, src, dst, Wl, bl, Wr, br):
    msgs = x_src[src]
    n = x_dst.shape[0]
    summed = jax.ops.segment_sum(msgs, dst, num_segments=n)
    cnt = jax.ops.segment_sum(jnp.ones((src.shape[0],), msgs.dtype), dst, num_segments=n)
    mean = summed / jnp.maximum(cnt, 1.0)[:, None]
    return mean @ Wl + bl + x_dst @ Wr + br


def setup_inputs(seed: int = 0) -> dict:
    key = jax.random.key(seed)
    ks = jax.random.split(key, 16)
    s = 0.05
    inp = {
        "x": jax.random.normal(ks[0], (N, D), jnp.float32),
        "edge_index": jax.random.randint(ks[1], (2, E), 0, N, dtype=jnp.int32),
        "y": jax.random.randint(ks[2], (N,), 0, C, dtype=jnp.int32),
        "W_l1": jax.random.normal(ks[3], (D, H), jnp.float32) * s,
        "b_l1": jnp.zeros((H,), jnp.float32),
        "W_r1": jax.random.normal(ks[4], (D, H), jnp.float32) * s,
        "b_r1": jnp.zeros((H,), jnp.float32),
        "g1": jnp.ones((H,), jnp.float32),
        "be1": jnp.zeros((H,), jnp.float32),
        "W_l2": jax.random.normal(ks[5], (H, H), jnp.float32) * s,
        "b_l2": jnp.zeros((H,), jnp.float32),
        "W_r2": jax.random.normal(ks[6], (H, H), jnp.float32) * s,
        "b_r2": jnp.zeros((H,), jnp.float32),
        "g2": jnp.ones((H,), jnp.float32),
        "be2": jnp.zeros((H,), jnp.float32),
        "Wm1": jax.random.normal(ks[7], (H, H), jnp.float32) * s,
        "bm1": jnp.zeros((H,), jnp.float32),
        "gm": jnp.ones((H,), jnp.float32),
        "bem": jnp.zeros((H,), jnp.float32),
        "Wm2": jax.random.normal(ks[8], (H, C), jnp.float32) * s,
        "bm2": jnp.zeros((C,), jnp.float32),
    }
    return inp


def reference(x, edge_index, y, W_l1, b_l1, W_r1, b_r1, g1, be1,
              W_l2, b_l2, W_r2, b_r2, g2, be2,
              Wm1, bm1, gm, bem, Wm2, bm2):
    src, dst = edge_index[0], edge_index[1]
    h = sage_conv(x, x, src, dst, W_l1, b_l1, W_r1, b_r1)
    h = jax.nn.relu(batchnorm(h, g1, be1))
    h = sage_conv(h, h, src, dst, W_l2, b_l2, W_r2, b_r2)
    h = jax.nn.relu(batchnorm(h, g2, be2))
    h = h @ Wm1 + bm1
    h = jax.nn.relu(batchnorm(h, gm, bem))
    logits = h @ Wm2 + bm2
    lse = jax.nn.logsumexp(logits, axis=-1)
    picked = jnp.take_along_axis(logits, y[:, None], axis=1)[:, 0]
    train_loss = jnp.mean(lse - picked)
    return train_loss

if __name__ == "__main__":
    import jax
    _d = setup_inputs()
    print(jax.jit(kernel)(*tuple(_d.values())))

</pallas_src>

<mosaic_0001>
#map = affine_map<(d0, d1) -> (0, 0)>
#map1 = affine_map<(d0, d1) -> (0, 0, 0)>
module attributes {stable_mosaic.version = 14 : i64} {
  func.func @body(%arg0: i32, %arg1: i32, %arg2: memref<10000x128xf32, #tpu.memory_space<hbm>>, %arg3: memref<2531x2x128xi32, #tpu.memory_space<hbm>>, %arg4: memref<128x128xf32, #tpu.memory_space<hbm>>, %arg5: memref<2x10112x128xf32, #tpu.memory_space<hbm>>, %arg6: memref<10112x128xf32, #tpu.memory_space<vmem_shared>>, %arg7: memref<88x2x128xi32, #tpu.memory_space<vmem>>, %arg8: memref<128x128xf32, #tpu.memory_space<vmem>>) attributes {dimension_semantics = [#tpu.dimension_semantics<core_parallel>, #tpu.dimension_semantics<subcore_parallel>], iteration_bounds = array<i64: 2, 16>, scalar_prefetch = 0 : i64, scratch_operands = 3 : i64, tpu.core_type = #tpu.core_type<sc_vector_subcore>, window_params = [{transform_indices = #map}, {transform_indices = #map1}, {transform_indices = #map}, {transform_indices = #map1}]} {
    %mul3A = arith.constant 2 : i32
    %mul3A_0 = arith.muli %arg1, %mul3A : i32
    %add3A = arith.addi %mul3A_0, %arg0 : i32
    %mul3A_1 = arith.constant 632 : i32
    %mul3A_2 = arith.muli %arg1, %mul3A_1 : i32
    "tpu.region"() ({
      %run_scoped3A = tpu.sem_alloc : memref<!tpu.dma_semaphore, #tpu.memory_space<semaphore_mem>>
      tpu.enqueue_dma source(%arg4 : memref<128x128xf32, #tpu.memory_space<hbm>>) target(%arg8 : memref<128x128xf32, #tpu.memory_space<vmem>>) target_semaphore(%run_scoped3A : memref<!tpu.dma_semaphore, #tpu.memory_space<semaphore_mem>>)
      tpu.wait_dma2 semaphore(%run_scoped3A : memref<!tpu.dma_semaphore, #tpu.memory_space<semaphore_mem>>) src(%arg4 : memref<128x128xf32, #tpu.memory_space<hbm>>) dst(%arg8 : memref<128x128xf32, #tpu.memory_space<vmem>>)
      tpu.yield
    }) : () -> ()
    %add3A_3 = arith.constant 0 : i32
    %add3A_4 = arith.addi %mul3A_2, %add3A_3 : i32
    "tpu.region"() ({
      %run_scoped3A = tpu.sem_alloc : memref<!tpu.dma_semaphore, #tpu.memory_space<semaphore_mem>>
      %dma_start3A = arith.constant 0 : i32
      %dma_start3A_62 = arith.constant 0 : i32
      %dma_start3A_63 = tpu.memref_slice %arg8[%dma_start3A, %dma_start3A_62] : memref<128x128xf32, #tpu.memory_space<vmem>> -> memref<128x128xf32, #tpu.memory_space<vmem>>
      %dma_start3A_64 = arith.constant 0 : i32
      %dma_start3A_65 = tpu.memref_slice %arg6[%add3A_4, %dma_start3A_64] : memref<10112x128xf32, #tpu.memory_space<vmem_shared>> -> memref<128x128xf32, #tpu.memory_space<vmem_shared>>
      %dma_start3A_66 = arith.constant 0 : i32
      %dma_start3A_67 = tpu.memref_slice %arg6[%add3A_4, %dma_start3A_66] : memref<10112x128xf32, #tpu.memory_space<vmem_shared>> -> memref<128x128xf32, #tpu.memory_space<vmem_shared>>
      %dma_start3A_68 = arith.constant 0 : i32
      %dma_start3A_69 = arith.constant 0 : i32
      %dma_start3A_70 = tpu.memref_slice %arg8[%dma_start3A_68, %dma_start3A_69] : memref<128x128xf32, #tpu.memory_space<vmem>> -> memref<128x128xf32, #tpu.memory_space<vmem>>
      tpu.enqueue_dma source(%dma_start3A_70 : memref<128x128xf32, #tpu.memory_space<vmem>>) target(%dma_start3A_67 : memref<128x128xf32, #tpu.memory_space<vmem_shared>>) target_semaphore(%run_scoped3A : memref<!tpu.dma_semaphore, #tpu.memory_space<semaphore_mem>>)
      %dma_wait3A = arith.constant 0 : i32
      %dma_wait3A_71 = arith.constant 0 : i32
      %dma_wait3A_72 = tpu.memref_slice %arg8[%dma_wait3A, %dma_wait3A_71] : memref<128x128xf32, #tpu.memory_space<vmem>> -> memref<128x128xf32, #tpu.memory_space<vmem>>
      %dma_wait3A_73 = arith.constant 0 : i32
      %dma_wait3A_74 = tpu.memref_slice %arg6[%add3A_4, %dma_wait3A_73] : memref<10112x128xf32, #tpu.memory_space<vmem_shared>> -> memref<128x128xf32, #tpu.memory_space<vmem_shared>>
      %dma_wait3A_75 = arith.constant 0 : i32
      %dma_wait3A_76 = tpu.memref_slice %arg6[%add3A_4, %dma_wait3A_75] : memref<10112x128xf32, #tpu.memory_space<vmem_shared>> -> memref<128x128xf32, #tpu.memory_space<vmem_shared>>
      %dma_wait3A_77 = arith.constant 0 : i32
      %dma_wait3A_78 = arith.constant 0 : i32
      %dma_wait3A_79 = tpu.memref_slice %arg8[%dma_wait3A_77, %dma_wait3A_78] : memref<128x128xf32, #tpu.memory_space<vmem>> -> memref<128x128xf32, #tpu.memory_space<vmem>>
      tpu.wait_dma2 semaphore(%run_scoped3A : memref<!tpu.dma_semaphore, #tpu.memory_space<semaphore_mem>>) src(%dma_wait3A_79 : memref<128x128xf32, #tpu.memory_space<vmem>>) dst(%dma_wait3A_76 : memref<128x128xf32, #tpu.memory_space<vmem_shared>>)
      tpu.yield
    }) : () -> ()
    %add3A_5 = arith.constant 128 : i32
    %add3A_6 = arith.addi %mul3A_2, %add3A_5 : i32
    "tpu.region"() ({
      %run_scoped3A = tpu.sem_alloc : memref<!tpu.dma_semaphore, #tpu.memory_space<semaphore_mem>>
      %dma_start3A = arith.constant 0 : i32
      %dma_start3A_62 = arith.constant 0 : i32
      %dma_start3A_63 = tpu.memref_slice %arg8[%dma_start3A, %dma_start3A_62] : memref<128x128xf32, #tpu.memory_space<vmem>> -> memref<128x128xf32, #tpu.memory_space<vmem>>
      %dma_start3A_64 = arith.constant 0 : i32
      %dma_start3A_65 = tpu.memref_slice %arg6[%add3A_6, %dma_start3A_64] : memref<10112x128xf32, #tpu.memory_space<vmem_shared>> -> memref<128x128xf32, #tpu.memory_space<vmem_shared>>
      %dma_start3A_66 = arith.constant 0 : i32
      %dma_start3A_67 = tpu.memref_slice %arg6[%add3A_6, %dma_start3A_66] : memref<10112x128xf32, #tpu.memory_space<vmem_shared>> -> memref<128x128xf32, #tpu.memory_space<vmem_shared>>
      %dma_start3A_68 = arith.constant 0 : i32
      %dma_start3A_69 = arith.constant 0 : i32
      %dma_start3A_70 = tpu.memref_slice %arg8[%dma_start3A_68, %dma_start3A_69] : memref<128x128xf32, #tpu.memory_space<vmem>> -> memref<128x128xf32, #tpu.memory_space<vmem>>
      tpu.enqueue_dma source(%dma_start3A_70 : memref<128x128xf32, #tpu.memory_space<vmem>>) target(%dma_start3A_67 : memref<128x128xf32, #tpu.memory_space<vmem_shared>>) target_semaphore(%run_scoped3A : memref<!tpu.dma_semaphore, #tpu.memory_space<semaphore_mem>>)
      %dma_wait3A = arith.constant 0 : i32
      %dma_wait3A_71 = arith.constant 0 : i32
      %dma_wait3A_72 = tpu.memref_slice %arg8[%dma_wait3A, %dma_wait3A_71] : memref<128x128xf32, #tpu.memory_space<vmem>> -> memref<128x128xf32, #tpu.memory_space<vmem>>
      %dma_wait3A_73 = arith.constant 0 : i32
      %dma_wait3A_74 = tpu.memref_slice %arg6[%add3A_6, %dma_wait3A_73] : memref<10112x128xf32, #tpu.memory_space<vmem_shared>> -> memref<128x128xf32, #tpu.memory_space<vmem_shared>>
      %dma_wait3A_75 = arith.constant 0 : i32
      %dma_wait3A_76 = tpu.memref_slice %arg6[%add3A_6, %dma_wait3A_75] : memref<10112x128xf32, #tpu.memory_space<vmem_shared>> -> memref<128x128xf32, #tpu.memory_space<vmem_shared>>
      %dma_wait3A_77 = arith.constant 0 : i32
      %dma_wait3A_78 = arith.constant 0 : i32
      %dma_wait3A_79 = tpu.memref_slice %arg8[%dma_wait3A_77, %dma_wait3A_78] : memref<128x128xf32, #tpu.memory_space<vmem>> -> memref<128x128xf32, #tpu.memory_space<vmem>>
      tpu.wait_dma2 semaphore(%run_scoped3A : memref<!tpu.dma_semaphore, #tpu.memory_space<semaphore_mem>>) src(%dma_wait3A_79 : memref<128x128xf32, #tpu.memory_space<vmem>>) dst(%dma_wait3A_76 : memref<128x128xf32, #tpu.memory_space<vmem_shared>>)
      tpu.yield
    }) : () -> ()
    %add3A_7 = arith.constant 256 : i32
    %add3A_8 = arith.addi %mul3A_2, %add3A_7 : i32
    "tpu.region"() ({
      %run_scoped3A = tpu.sem_alloc : memref<!tpu.dma_semaphore, #tpu.memory_space<semaphore_mem>>
      %dma_start3A = arith.constant 0 : i32
      %dma_start3A_62 = arith.constant 0 : i32
      %dma_start3A_63 = tpu.memref_slice %arg8[%dma_start3A, %dma_start3A_62] : memref<128x128xf32, #tpu.memory_space<vmem>> -> memref<128x128xf32, #tpu.memory_space<vmem>>
      %dma_start3A_64 = arith.constant 0 : i32
      %dma_start3A_65 = tpu.memref_slice %arg6[%add3A_8, %dma_start3A_64] : memref<10112x128xf32, #tpu.memory_space<vmem_shared>> -> memref<128x128xf32, #tpu.memory_space<vmem_shared>>
      %dma_start3A_66 = arith.constant 0 : i32
      %dma_start3A_67 = tpu.memref_slice %arg6[%add3A_8, %dma_start3A_66] : memref<10112x128xf32, #tpu.memory_space<vmem_shared>> -> memref<128x128xf32, #tpu.memory_space<vmem_shared>>
      %dma_start3A_68 = arith.constant 0 : i32
      %dma_start3A_69 = arith.constant 0 : i32
      %dma_start3A_70 = tpu.memref_slice %arg8[%dma_start3A_68, %dma_start3A_69] : memref<128x128xf32, #tpu.memory_space<vmem>> -> memref<128x128xf32, #tpu.memory_space<vmem>>
      tpu.enqueue_dma source(%dma_start3A_70 : memref<128x128xf32, #tpu.memory_space<vmem>>) target(%dma_start3A_67 : memref<128x128xf32, #tpu.memory_space<vmem_shared>>) target_semaphore(%run_scoped3A : memref<!tpu.dma_semaphore, #tpu.memory_space<semaphore_mem>>)
      %dma_wait3A = arith.constant 0 : i32
      %dma_wait3A_71 = arith.constant 0 : i32
      %dma_wait3A_72 = tpu.memref_slice %arg8[%dma_wait3A, %dma_wait3A_71] : memref<128x128xf32, #tpu.memory_space<vmem>> -> memref<128x128xf32, #tpu.memory_space<vmem>>
      %dma_wait3A_73 = arith.constant 0 : i32
      %dma_wait3A_74 = tpu.memref_slice %arg6[%add3A_8, %dma_wait3A_73] : memref<10112x128xf32, #tpu.memory_space<vmem_shared>> -> memref<128x128xf32, #tpu.memory_space<vmem_shared>>
      %dma_wait3A_75 = arith.constant 0 : i32
      %dma_wait3A_76 = tpu.memref_slice %arg6[%add3A_8, %dma_wait3A_75] : memref<10112x128xf32, #tpu.memory_space<vmem_shared>> -> memref<128x128xf32, #tpu.memory_space<vmem_shared>>
      %dma_wait3A_77 = arith.constant 0 : i32
      %dma_wait3A_78 = arith.constant 0 : i32
      %dma_wait3A_79 = tpu.memref_slice %arg8[%dma_wait3A_77, %dma_wait3A_78] : memref<128x128xf32, #tpu.memory_space<vmem>> -> memref<128x128xf32, #tpu.memory_space<vmem>>
      tpu.wait_dma2 semaphore(%run_scoped3A : memref<!tpu.dma_semaphore, #tpu.memory_space<semaphore_mem>>) src(%dma_wait3A_79 : memref<128x128xf32, #tpu.memory_space<vmem>>) dst(%dma_wait3A_76 : memref<128x128xf32, #tpu.memory_space<vmem_shared>>)
      tpu.yield
    }) : () -> ()
    %add3A_9 = arith.constant 384 : i32
    %add3A_10 = arith.addi %mul3A_2, %add3A_9 : i32
    "tpu.region"() ({
      %run_scoped3A = tpu.sem_alloc : memref<!tpu.dma_semaphore, #tpu.memory_space<semaphore_mem>>
      %dma_start3A = arith.constant 0 : i32
      %dma_start3A_62 = arith.constant 0 : i32
      %dma_start3A_63 = tpu.memref_slice %arg8[%dma_start3A, %dma_start3A_62] : memref<128x128xf32, #tpu.memory_space<vmem>> -> memref<128x128xf32, #tpu.memory_space<vmem>>
      %dma_start3A_64 = arith.constant 0 : i32
      %dma_start3A_65 = tpu.memref_slice %arg6[%add3A_10, %dma_start3A_64] : memref<10112x128xf32, #tpu.memory_space<vmem_shared>> -> memref<128x128xf32, #tpu.memory_space<vmem_shared>>
      %dma_start3A_66 = arith.constant 0 : i32
      %dma_start3A_67 = tpu.memref_slice %arg6[%add3A_10, %dma_start3A_66] : memref<10112x128xf32, #tpu.memory_space<vmem_shared>> -> memref<128x128xf32, #tpu.memory_space<vmem_shared>>
      %dma_start3A_68 = arith.constant 0 : i32
      %dma_start3A_69 = arith.constant 0 : i32
      %dma_start3A_70 = tpu.memref_slice %arg8[%dma_start3A_68, %dma_start3A_69] : memref<128x128xf32, #tpu.memory_space<vmem>> -> memref<128x128xf32, #tpu.memory_space<vmem>>
      tpu.enqueue_dma source(%dma_start3A_70 : memref<128x128xf32, #tpu.memory_space<vmem>>) target(%dma_start3A_67 : memref<128x128xf32, #tpu.memory_space<vmem_shared>>) target_semaphore(%run_scoped3A : memref<!tpu.dma_semaphore, #tpu.memory_space<semaphore_mem>>)
      %dma_wait3A = arith.constant 0 : i32
      %dma_wait3A_71 = arith.constant 0 : i32
      %dma_wait3A_72 = tpu.memref_slice %arg8[%dma_wait3A, %dma_wait3A_71] : memref<128x128xf32, #tpu.memory_space<vmem>> -> memref<128x128xf32, #tpu.memory_space<vmem>>
      %dma_wait3A_73 = arith.constant 0 : i32
      %dma_wait3A_74 = tpu.memref_slice %arg6[%add3A_10, %dma_wait3A_73] : memref<10112x128xf32, #tpu.memory_space<vmem_shared>> -> memref<128x128xf32, #tpu.memory_space<vmem_shared>>
      %dma_wait3A_75 = arith.constant 0 : i32
      %dma_wait3A_76 = tpu.memref_slice %arg6[%add3A_10, %dma_wait3A_75] : memref<10112x128xf32, #tpu.memory_space<vmem_shared>> -> memref<128x128xf32, #tpu.memory_space<vmem_shared>>
      %dma_wait3A_77 = arith.constant 0 : i32
      %dma_wait3A_78 = arith.constant 0 : i32
      %dma_wait3A_79 = tpu.memref_slice %arg8[%dma_wait3A_77, %dma_wait3A_78] : memref<128x128xf32, #tpu.memory_space<vmem>> -> memref<128x128xf32, #tpu.memory_space<vmem>>
      tpu.wait_dma2 semaphore(%run_scoped3A : memref<!tpu.dma_semaphore, #tpu.memory_space<semaphore_mem>>) src(%dma_wait3A_79 : memref<128x128xf32, #tpu.memory_space<vmem>>) dst(%dma_wait3A_76 : memref<128x128xf32, #tpu.memory_space<vmem_shared>>)
      tpu.yield
    }) : () -> ()
    %add3A_11 = arith.constant 512 : i32
    %add3A_12 = arith.addi %mul3A_2, %add3A_11 : i32
    "tpu.region"() ({
      %run_scoped3A = tpu.sem_alloc : memref<!tpu.dma_semaphore, #tpu.memory_space<semaphore_mem>>
      %dma_start3A = arith.constant 0 : i32
      %dma_start3A_62 = arith.constant 0 : i32
      %dma_start3A_63 = tpu.memref_slice %arg8[%dma_start3A, %dma_start3A_62] : memref<128x128xf32, #tpu.memory_space<vmem>> -> memref<120x128xf32, #tpu.memory_space<vmem>>
      %dma_start3A_64 = arith.constant 0 : i32
      %dma_start3A_65 = tpu.memref_slice %arg6[%add3A_12, %dma_start3A_64] : memref<10112x128xf32, #tpu.memory_space<vmem_shared>> -> memref<120x128xf32, #tpu.memory_space<vmem_shared>>
      %dma_start3A_66 = arith.constant 0 : i32
      %dma_start3A_67 = tpu.memref_slice %arg6[%add3A_12, %dma_start3A_66] : memref<10112x128xf32, #tpu.memory_space<vmem_shared>> -> memref<120x128xf32, #tpu.memory_space<vmem_shared>>
      %dma_start3A_68 = arith.constant 0 : i32
      %dma_start3A_69 = arith.constant 0 : i32
      %dma_start3A_70 = tpu.memref_slice %arg8[%dma_start3A_68, %dma_start3A_69] : memref<128x128xf32, #tpu.memory_space<vmem>> -> memref<120x128xf32, #tpu.memory_space<vmem>>
      tpu.enqueue_dma source(%dma_start3A_70 : memref<120x128xf32, #tpu.memory_space<vmem>>) target(%dma_start3A_67 : memref<120x128xf32, #tpu.memory_space<vmem_shared>>) target_semaphore(%run_scoped3A : memref<!tpu.dma_semaphore, #tpu.memory_space<semaphore_mem>>)
      %dma_wait3A = arith.constant 0 : i32
      %dma_wait3A_71 = arith.constant 0 : i32
      %dma_wait3A_72 = tpu.memref_slice %arg8[%dma_wait3A, %dma_wait3A_71] : memref<128x128xf32, #tpu.memory_space<vmem>> -> memref<120x128xf32, #tpu.memory_space<vmem>>
      %dma_wait3A_73 = arith.constant 0 : i32
      %dma_wait3A_74 = tpu.memref_slice %arg6[%add3A_12, %dma_wait3A_73] : memref<10112x128xf32, #tpu.memory_space<vmem_shared>> -> memref<120x128xf32, #tpu.memory_space<vmem_shared>>
      %dma_wait3A_75 = arith.constant 0 : i32
      %dma_wait3A_76 = tpu.memref_slice %arg6[%add3A_12, %dma_wait3A_75] : memref<10112x128xf32, #tpu.memory_space<vmem_shared>> -> memref<120x128xf32, #tpu.memory_space<vmem_shared>>
      %dma_wait3A_77 = arith.constant 0 : i32
      %dma_wait3A_78 = arith.constant 0 : i32
      %dma_wait3A_79 = tpu.memref_slice %arg8[%dma_wait3A_77, %dma_wait3A_78] : memref<128x128xf32, #tpu.memory_space<vmem>> -> memref<120x128xf32, #tpu.memory_space<vmem>>
      tpu.wait_dma2 semaphore(%run_scoped3A : memref<!tpu.dma_semaphore, #tpu.memory_space<semaphore_mem>>) src(%dma_wait3A_79 : memref<120x128xf32, #tpu.memory_space<vmem>>) dst(%dma_wait3A_76 : memref<120x128xf32, #tpu.memory_space<vmem_shared>>)
      tpu.yield
    }) : () -> ()
    %barrier3A = arith.constant 0 : index
    tpu.barrier barrier_id(%barrier3A)
    %eq3A = arith.constant 0 : i32
    %eq3A_13 = arith.cmpi eq, %arg0, %eq3A : i32
    %jit3A = arith.constant 88 : i32
    %jit3A_14 = arith.constant 69 : i32
    %select_n3A = arith.select %eq3A_13, %jit3A, %jit3A_14 : i32
    %eq3A_15 = arith.constant 0 : i32
    %eq3A_16 = arith.cmpi eq, %arg0, %eq3A_15 : i32
    %mul3A_17 = arith.constant 88 : i32
    %mul3A_18 = arith.muli %arg1, %mul3A_17 : i32
    %mul3A_19 = arith.constant 69 : i32
    %mul3A_20 = arith.muli %arg1, %mul3A_19 : i32
    %add3A_21 = arith.constant 1408 : i32
    %add3A_22 = arith.addi %add3A_21, %mul3A_20 : i32
    %select_n3A_23 = arith.select %eq3A_16, %mul3A_18, %add3A_22 : i32
    %broadcast_in_dim3A = arith.constant 1.000000e+00 : f32
    %broadcast_in_dim3A_24 = vector.broadcast %broadcast_in_dim3A : f32 to vector<16xf32>
    "tpu.region"() ({
      %run_scoped3A = tpu.sem_alloc : memref<!tpu.dma_semaphore, #tpu.memory_space<semaphore_mem>>
      %dma_start3A = arith.constant 0 : i32
      %dma_start3A_62 = arith.constant 0 : i32
      %dma_start3A_63 = tpu.memref_slice %arg3[%select_n3A_23, %dma_start3A, %dma_start3A_62] : memref<2531x2x128xi32, #tpu.memory_space<hbm>> -> memref<88x2x128xi32, #tpu.memory_space<hbm>>
      %dma_start3A_64 = arith.constant 0 : i32
      %dma_start3A_65 = arith.constant 0 : i32
      %dma_start3A_66 = tpu.memref_slice %arg3[%select_n3A_23, %dma_start3A_64, %dma_start3A_65] : memref<2531x2x128xi32, #tpu.memory_space<hbm>> -> memref<88x2x128xi32, #tpu.memory_space<hbm>>
      tpu.enqueue_dma source(%dma_start3A_66 : memref<88x2x128xi32, #tpu.memory_space<hbm>>) target(%arg7 : memref<88x2x128xi32, #tpu.memory_space<vmem>>) target_semaphore(%run_scoped3A : memref<!tpu.dma_semaphore, #tpu.memory_space<semaphore_mem>>)
      %dma_wait3A = arith.constant 0 : i32
      %dma_wait3A_67 = arith.constant 0 : i32
      %dma_wait3A_68 = tpu.memref_slice %arg3[%select_n3A_23, %dma_wait3A, %dma_wait3A_67] : memref<2531x2x128xi32, #tpu.memory_space<hbm>> -> memref<88x2x128xi32, #tpu.memory_space<hbm>>
      %dma_wait3A_69 = arith.constant 0 : i32
      %dma_wait3A_70 = arith.constant 0 : i32
      %dma_wait3A_71 = tpu.memref_slice %arg3[%select_n3A_23, %dma_wait3A_69, %dma_wait3A_70] : memref<2531x2x128xi32, #tpu.memory_space<hbm>> -> memref<88x2x128xi32, #tpu.memory_space<hbm>>
      tpu.wait_dma2 semaphore(%run_scoped3A : memref<!tpu.dma_semaphore, #tpu.memory_space<semaphore_mem>>) src(%dma_wait3A_71 : memref<88x2x128xi32, #tpu.memory_space<hbm>>) dst(%arg7 : memref<88x2x128xi32, #tpu.memory_space<vmem>>)
      tpu.yield
    }) : () -> ()
    %sub3A = arith.constant 0 : i32
    %sub3A_25 = arith.subi %select_n3A, %sub3A : i32
    %sub3A_26 = arith.constant 1 : i32
    %sub3A_27 = arith.constant 1 : i32
    %sub3A_28 = arith.subi %sub3A_26, %sub3A_27 : i32
    %add3A_29 = arith.addi %sub3A_25, %sub3A_28 : i32
    %div3A = arith.constant 1 : i32
    %div3A_30 = arith.divsi %add3A_29, %div3A : i32
    %while3A = arith.constant 1 : i32
    %while3A_31 = arith.constant 0 : i32
    %while3A_32 = arith.constant 0 : i32
    %while3A_33 = arith.subi %div3A_30, %while3A_32 : i32
    %while3A_34 = arith.addi %while3A_32, %while3A_33 : i32
    %while3A_35 = arith.constant 1 : i32
    %while3A_36 = arith.divsi %while3A_33, %while3A_35 : i32
    %while3A_37 = arith.muli %while3A_36, %while3A_35 : i32
    %while3A_38 = arith.addi %while3A_32, %while3A_37 : i32
    %while3A_39 = arith.constant 1 : i32
    scf.for %while3A_62 = %while3A_32 to %while3A_38 step %while3A_39  : i32 {
      %mul3A_63 = arith.muli %while3A_62, %while3A : i32
      %add3A_64 = arith.addi %while3A_31, %mul3A_63 : i32
      %run_scoped3A = arith.constant 0 : i32
      "tpu.region"() ({
        %run_scoped3A_66 = tpu.sem_alloc : memref<!tpu.dma_semaphore, #tpu.memory_space<semaphore_mem>>
        %dma_start3A = arith.constant 0 : i32
        %dma_start3A_67 = tpu.memref_slice %arg7[%add3A_64, %run_scoped3A, %dma_start3A] : memref<88x2x128xi32, #tpu.memory_space<vmem>> -> memref<1x1x128xi32, #tpu.memory_space<vmem>>
        %dma_start3A_68 = tpu.memref_squeeze %dma_start3A_67 : memref<1x1x128xi32, #tpu.memory_space<vmem>> -> memref<128xi32, #tpu.memory_space<vmem>>
        %dma_start3A_69 = arith.constant 0 : i32
        %dma_start3A_70 = arith.constant 0 : i32
        %dma_start3A_71 = tpu.memref_slice %arg2[%dma_start3A_69, %dma_start3A_70] : memref<10000x128xf32, #tpu.memory_space<hbm>> -> memref<10000x128xf32, #tpu.memory_space<hbm>>
        tpu.enqueue_indirect_dma source(%dma_start3A_71 : memref<10000x128xf32, #tpu.memory_space<hbm>>) target(%arg8 : memref<128x128xf32, #tpu.memory_space<vmem>>) offsets(%dma_start3A_68 : memref<128xi32, #tpu.memory_space<vmem>>) semaphore(%run_scoped3A_66 : memref<!tpu.dma_semaphore, #tpu.memory_space<semaphore_mem>>)
        %dma_wait3A = arith.constant 0 : i32
        %dma_wait3A_72 = tpu.memref_slice %arg7[%add3A_64, %run_scoped3A, %dma_wait3A] : memref<88x2x128xi32, #tpu.memory_space<vmem>> -> memref<1x1x128xi32, #tpu.memory_space<vmem>>
        %dma_wait3A_73 = tpu.memref_squeeze %dma_wait3A_72 : memref<1x1x128xi32, #tpu.memory_space<vmem>> -> memref<128xi32, #tpu.memory_space<vmem>>
        %dma_wait3A_74 = arith.constant 0 : i32
        %dma_wait3A_75 = arith.constant 0 : i32
        %dma_wait3A_76 = tpu.memref_slice %arg2[%dma_wait3A_74, %dma_wait3A_75] : memref<10000x128xf32, #tpu.memory_space<hbm>> -> memref<10000x128xf32, #tpu.memory_space<hbm>>
        tpu.wait_indirect_dma semaphore(%run_scoped3A_66 : memref<!tpu.dma_semaphore, #tpu.memory_space<semaphore_mem>>) src(%dma_wait3A_76 : memref<10000x128xf32, #tpu.memory_space<hbm>>) dst(%arg8 : memref<128x128xf32, #tpu.memory_space<vmem>>)
        tpu.yield
      }) : () -> ()
      %run_scoped3A_65 = arith.constant 1 : i32
      "tpu.region"() ({
        %run_scoped3A_66 = tpu.sem_alloc : memref<!tpu.dma_semaphore, #tpu.memory_space<semaphore_mem>>
        %dma_start3A = arith.constant 0 : i32
        %dma_start3A_67 = tpu.memref_slice %arg7[%add3A_64, %run_scoped3A_65, %dma_start3A] : memref<88x2x128xi32, #tpu.memory_space<vmem>> -> memref<1x1x128xi32, #tpu.memory_space<vmem>>
        %dma_start3A_68 = tpu.memref_squeeze %dma_start3A_67 : memref<1x1x128xi32, #tpu.memory_space<vmem>> -> memref<128xi32, #tpu.memory_space<vmem>>
        %dma_start3A_69 = arith.constant 0 : i32
        %dma_start3A_70 = arith.constant 0 : i32
        %dma_start3A_71 = tpu.memref_slice %arg6[%dma_start3A_69, %dma_start3A_70] : memref<10112x128xf32, #tpu.memory_space<vmem_shared>> -> memref<10112x128xf32, #tpu.memory_space<vmem_shared>>
        tpu.enqueue_indirect_dma source(%arg8 : memref<128x128xf32, #tpu.memory_space<vmem>>) target(%dma_start3A_71 : memref<10112x128xf32, #tpu.memory_space<vmem_shared>>) offsets(%dma_start3A_68 : memref<128xi32, #tpu.memory_space<vmem>>) semaphore(%run_scoped3A_66 : memref<!tpu.dma_semaphore, #tpu.memory_space<semaphore_mem>>) {add = true}
        %dma_wait3A = arith.constant 0 : i32
        %dma_wait3A_72 = tpu.memref_slice %arg7[%add3A_64, %run_scoped3A_65, %dma_wait3A] : memref<88x2x128xi32, #tpu.memory_space<vmem>> -> memref<1x1x128xi32, #tpu.memory_space<vmem>>
        %dma_wait3A_73 = tpu.memref_squeeze %dma_wait3A_72 : memref<1x1x128xi32, #tpu.memory_space<vmem>> -> memref<128xi32, #tpu.memory_space<vmem>>
        %dma_wait3A_74 = arith.constant 0 : i32
        %dma_wait3A_75 = arith.constant 0 : i32
        %dma_wait3A_76 = tpu.memref_slice %arg6[%dma_wait3A_74, %dma_wait3A_75] : memref<10112x128xf32, #tpu.memory_space<vmem_shared>> -> memref<10112x128xf32, #tpu.memory_space<vmem_shared>>
        tpu.wait_indirect_dma semaphore(%run_scoped3A_66 : memref<!tpu.dma_semaphore, #tpu.memory_space<semaphore_mem>>) src(%arg8 : memref<128x128xf32, #tpu.memory_space<vmem>>) dst(%dma_wait3A_76 : memref<10112x128xf32, #tpu.memory_space<vmem_shared>>)
        tpu.yield
      }) : () -> ()
    }
    %while3A_40 = arith.constant 1 : i32
    scf.for %while3A_62 = %while3A_38 to %while3A_34 step %while3A_40  : i32 {
      %mul3A_63 = arith.muli %while3A_62, %while3A : i32
      %add3A_64 = arith.addi %while3A_31, %mul3A_63 : i32
      %run_scoped3A = arith.constant 0 : i32
      "tpu.region"() ({
        %run_scoped3A_66 = tpu.sem_alloc : memref<!tpu.dma_semaphore, #tpu.memory_space<semaphore_mem>>
        %dma_start3A = arith.constant 0 : i32
        %dma_start3A_67 = tpu.memref_slice %arg7[%add3A_64, %run_scoped3A, %dma_start3A] : memref<88x2x128xi32, #tpu.memory_space<vmem>> -> memref<1x1x128xi32, #tpu.memory_space<vmem>>
        %dma_start3A_68 = tpu.memref_squeeze %dma_start3A_67 : memref<1x1x128xi32, #tpu.memory_space<vmem>> -> memref<128xi32, #tpu.memory_space<vmem>>
        %dma_start3A_69 = arith.constant 0 : i32
        %dma_start3A_70 = arith.constant 0 : i32
        %dma_start3A_71 = tpu.memref_slice %arg2[%dma_start3A_69, %dma_start3A_70] : memref<10000x128xf32, #tpu.memory_space<hbm>> -> memref<10000x128xf32, #tpu.memory_space<hbm>>
        tpu.enqueue_indirect_dma source(%dma_start3A_71 : memref<10000x128xf32, #tpu.memory_space<hbm>>) target(%arg8 : memref<128x128xf32, #tpu.memory_space<vmem>>) offsets(%dma_start3A_68 : memref<128xi32, #tpu.memory_space<vmem>>) semaphore(%run_scoped3A_66 : memref<!tpu.dma_semaphore, #tpu.memory_space<semaphore_mem>>)
        %dma_wait3A = arith.constant 0 : i32
        %dma_wait3A_72 = tpu.memref_slice %arg7[%add3A_64, %run_scoped3A, %dma_wait3A] : memref<88x2x128xi32, #tpu.memory_space<vmem>> -> memref<1x1x128xi32, #tpu.memory_space<vmem>>
        %dma_wait3A_73 = tpu.memref_squeeze %dma_wait3A_72 : memref<1x1x128xi32, #tpu.memory_space<vmem>> -> memref<128xi32, #tpu.memory_space<vmem>>
        %dma_wait3A_74 = arith.constant 0 : i32
        %dma_wait3A_75 = arith.constant 0 : i32
        %dma_wait3A_76 = tpu.memref_slice %arg2[%dma_wait3A_74, %dma_wait3A_75] : memref<10000x128xf32, #tpu.memory_space<hbm>> -> memref<10000x128xf32, #tpu.memory_space<hbm>>
        tpu.wait_indirect_dma semaphore(%run_scoped3A_66 : memref<!tpu.dma_semaphore, #tpu.memory_space<semaphore_mem>>) src(%dma_wait3A_76 : memref<10000x128xf32, #tpu.memory_space<hbm>>) dst(%arg8 : memref<128x128xf32, #tpu.memory_space<vmem>>)
        tpu.yield
      }) : () -> ()
      %run_scoped3A_65 = arith.constant 1 : i32
      "tpu.region"() ({
        %run_scoped3A_66 = tpu.sem_alloc : memref<!tpu.dma_semaphore, #tpu.memory_space<semaphore_mem>>
        %dma_start3A = arith.constant 0 : i32
        %dma_start3A_67 = tpu.memref_slice %arg7[%add3A_64, %run_scoped3A_65, %dma_start3A] : memref<88x2x128xi32, #tpu.memory_space<vmem>> -> memref<1x1x128xi32, #tpu.memory_space<vmem>>
        %dma_start3A_68 = tpu.memref_squeeze %dma_start3A_67 : memref<1x1x128xi32, #tpu.memory_space<vmem>> -> memref<128xi32, #tpu.memory_space<vmem>>
        %dma_start3A_69 = arith.constant 0 : i32
        %dma_start3A_70 = arith.constant 0 : i32
        %dma_start3A_71 = tpu.memref_slice %arg6[%dma_start3A_69, %dma_start3A_70] : memref<10112x128xf32, #tpu.memory_space<vmem_shared>> -> memref<10112x128xf32, #tpu.memory_space<vmem_shared>>
        tpu.enqueue_indirect_dma source(%arg8 : memref<128x128xf32, #tpu.memory_space<vmem>>) target(%dma_start3A_71 : memref<10112x128xf32, #tpu.memory_space<vmem_shared>>) offsets(%dma_start3A_68 : memref<128xi32, #tpu.memory_space<vmem>>) semaphore(%run_scoped3A_66 : memref<!tpu.dma_semaphore, #tpu.memory_space<semaphore_mem>>) {add = true}
        %dma_wait3A = arith.constant 0 : i32
        %dma_wait3A_72 = tpu.memref_slice %arg7[%add3A_64, %run_scoped3A_65, %dma_wait3A] : memref<88x2x128xi32, #tpu.memory_space<vmem>> -> memref<1x1x128xi32, #tpu.memory_space<vmem>>
        %dma_wait3A_73 = tpu.memref_squeeze %dma_wait3A_72 : memref<1x1x128xi32, #tpu.memory_space<vmem>> -> memref<128xi32, #tpu.memory_space<vmem>>
        %dma_wait3A_74 = arith.constant 0 : i32
        %dma_wait3A_75 = arith.constant 0 : i32
        %dma_wait3A_76 = tpu.memref_slice %arg6[%dma_wait3A_74, %dma_wait3A_75] : memref<10112x128xf32, #tpu.memory_space<vmem_shared>> -> memref<10112x128xf32, #tpu.memory_space<vmem_shared>>
        tpu.wait_indirect_dma semaphore(%run_scoped3A_66 : memref<!tpu.dma_semaphore, #tpu.memory_space<semaphore_mem>>) src(%arg8 : memref<128x128xf32, #tpu.memory_space<vmem>>) dst(%dma_wait3A_76 : memref<10112x128xf32, #tpu.memory_space<vmem_shared>>)
        tpu.yield
      }) : () -> ()
    }
    %barrier3A_41 = arith.constant 0 : index
    tpu.barrier barrier_id(%barrier3A_41)
    %add3A_42 = arith.constant 0 : i32
    %add3A_43 = arith.addi %mul3A_2, %add3A_42 : i32
    "tpu.region"() ({
      %run_scoped3A = tpu.sem_alloc : memref<!tpu.dma_semaphore, #tpu.memory_space<semaphore_mem>>
      %dma_start3A = arith.constant 0 : i32
      %dma_start3A_62 = arith.constant 0 : i32
      %dma_start3A_63 = tpu.memref_slice %arg8[%dma_start3A, %dma_start3A_62] : memref<128x128xf32, #tpu.memory_space<vmem>> -> memref<128x128xf32, #tpu.memory_space<vmem>>
      %dma_start3A_64 = arith.constant 0 : i32
      %dma_start3A_65 = tpu.memref_slice %arg6[%add3A_43, %dma_start3A_64] : memref<10112x128xf32, #tpu.memory_space<vmem_shared>> -> memref<128x128xf32, #tpu.memory_space<vmem_shared>>
      %dma_start3A_66 = arith.constant 0 : i32
      %dma_start3A_67 = arith.constant 0 : i32
      %dma_start3A_68 = tpu.memref_slice %arg8[%dma_start3A_66, %dma_start3A_67] : memref<128x128xf32, #tpu.memory_space<vmem>> -> memref<128x128xf32, #tpu.memory_space<vmem>>
      %dma_start3A_69 = arith.constant 0 : i32
      %dma_start3A_70 = tpu.memref_slice %arg6[%add3A_43, %dma_start3A_69] : memref<10112x128xf32, #tpu.memory_space<vmem_shared>> -> memref<128x128xf32, #tpu.memory_space<vmem_shared>>
      tpu.enqueue_dma source(%dma_start3A_70 : memref<128x128xf32, #tpu.memory_space<vmem_shared>>) target(%dma_start3A_68 : memref<128x128xf32, #tpu.memory_space<vmem>>) target_semaphore(%run_scoped3A : memref<!tpu.dma_semaphore, #tpu.memory_space<semaphore_mem>>)
      %dma_wait3A = arith.constant 0 : i32
      %dma_wait3A_71 = arith.constant 0 : i32
      %dma_wait3A_72 = tpu.memref_slice %arg8[%dma_wait3A, %dma_wait3A_71] : memref<128x128xf32, #tpu.memory_space<vmem>> -> memref<128x128xf32, #tpu.memory_space<vmem>>
      %dma_wait3A_73 = arith.constant 0 : i32
      %dma_wait3A_74 = tpu.memref_slice %arg6[%add3A_43, %dma_wait3A_73] : memref<10112x128xf32, #tpu.memory_space<vmem_shared>> -> memref<128x128xf32, #tpu.memory_space<vmem_shared>>
      %dma_wait3A_75 = arith.constant 0 : i32
      %dma_wait3A_76 = arith.constant 0 : i32
      %dma_wait3A_77 = tpu.memref_slice %arg8[%dma_wait3A_75, %dma_wait3A_76] : memref<128x128xf32, #tpu.memory_space<vmem>> -> memref<128x128xf32, #tpu.memory_space<vmem>>
      %dma_wait3A_78 = arith.constant 0 : i32
      %dma_wait3A_79 = tpu.memref_slice %arg6[%add3A_43, %dma_wait3A_78] : memref<10112x128xf32, #tpu.memory_space<vmem_shared>> -> memref<128x128xf32, #tpu.memory_space<vmem_shared>>
      tpu.wait_dma2 semaphore(%run_scoped3A : memref<!tpu.dma_semaphore, #tpu.memory_space<semaphore_mem>>) src(%dma_wait3A_79 : memref<128x128xf32, #tpu.memory_space<vmem_shared>>) dst(%dma_wait3A_77 : memref<128x128xf32, #tpu.memory_space<vmem>>)
      tpu.yield
    }) : () -> ()
    %add3A_44 = arith.constant 0 : i32
    %add3A_45 = arith.addi %mul3A_2, %add3A_44 : i32
    "tpu.region"() ({
      %run_scoped3A = tpu.sem_alloc : memref<!tpu.dma_semaphore, #tpu.memory_space<semaphore_mem>>
      %dma_start3A = arith.constant 0 : i32
      %dma_start3A_62 = arith.constant 0 : i32
      %dma_start3A_63 = tpu.memref_slice %arg8[%dma_start3A, %dma_start3A_62] : memref<128x128xf32, #tpu.memory_space<vmem>> -> memref<128x128xf32, #tpu.memory_space<vmem>>
      %dma_start3A_64 = arith.constant 0 : i32
      %dma_start3A_65 = tpu.memref_slice %arg5[%arg0, %add3A_45, %dma_start3A_64] : memref<2x10112x128xf32, #tpu.memory_space<hbm>> -> memref<1x128x128xf32, #tpu.memory_space<hbm>>
      %dma_start3A_66 = tpu.memref_squeeze %dma_start3A_65 : memref<1x128x128xf32, #tpu.memory_space<hbm>> -> memref<128x128xf32, #tpu.memory_space<hbm>>
      %dma_start3A_67 = arith.constant 0 : i32
      %dma_start3A_68 = tpu.memref_slice %arg5[%arg0, %add3A_45, %dma_start3A_67] : memref<2x10112x128xf32, #tpu.memory_space<hbm>> -> memref<1x128x128xf32, #tpu.memory_space<hbm>>
      %dma_start3A_69 = tpu.memref_squeeze %dma_start3A_68 : memref<1x128x128xf32, #tpu.memory_space<hbm>> -> memref<128x128xf32, #tpu.memory_space<hbm>>
      %dma_start3A_70 = arith.constant 0 : i32
      %dma_start3A_71 = arith.constant 0 : i32
      %dma_start3A_72 = tpu.memref_slice %arg8[%dma_start3A_70, %dma_start3A_71] : memref<128x128xf32, #tpu.memory_space<vmem>> -> memref<128x128xf32, #tpu.memory_space<vmem>>
      tpu.enqueue_dma source(%dma_start3A_72 : memref<128x128xf32, #tpu.memory_space<vmem>>) target(%dma_start3A_69 : memref<128x128xf32, #tpu.memory_space<hbm>>) target_semaphore(%run_scoped3A : memref<!tpu.dma_semaphore, #tpu.memory_space<semaphore_mem>>)
      %dma_wait3A = arith.constant 0 : i32
      %dma_wait3A_73 = arith.constant 0 : i32
      %dma_wait3A_74 = tpu.memref_slice %arg8[%dma_wait3A, %dma_wait3A_73] : memref<128x128xf32, #tpu.memory_space<vmem>> -> memref<128x128xf32, #tpu.memory_space<vmem>>
      %dma_wait3A_75 = arith.constant 0 : i32
      %dma_wait3A_76 = tpu.memref_slice %arg5[%arg0, %add3A_45, %dma_wait3A_75] : memref<2x10112x128xf32, #tpu.memory_space<hbm>> -> memref<1x128x128xf32, #tpu.memory_space<hbm>>
      %dma_wait3A_77 = tpu.memref_squeeze %dma_wait3A_76 : memref<1x128x128xf32, #tpu.memory_space<hbm>> -> memref<128x128xf32, #tpu.memory_space<hbm>>
      %dma_wait3A_78 = arith.constant 0 : i32
      %dma_wait3A_79 = tpu.memref_slice %arg5[%arg0, %add3A_45, %dma_wait3A_78] : memref<2x10112x128xf32, #tpu.memory_space<hbm>> -> memref<1x128x128xf32, #tpu.memory_space<hbm>>
      %dma_wait3A_80 = tpu.memref_squeeze %dma_wait3A_79 : memref<1x128x128xf32, #tpu.memory_space<hbm>> -> memref<128x128xf32, #tpu.memory_space<hbm>>
      %dma_wait3A_81 = arith.constant 0 : i32
      %dma_wait3A_82 = arith.constant 0 : i32
      %dma_wait3A_83 = tpu.memref_slice %arg8[%dma_wait3A_81, %dma_wait3A_82] : memref<128x128xf32, #tpu.memory_space<vmem>> -> memref<128x128xf32, #tpu.memory_space<vmem>>
      tpu.wait_dma2 semaphore(%run_scoped3A : memref<!tpu.dma_semaphore, #tpu.memory_space<semaphore_mem>>) src(%dma_wait3A_83 : memref<128x128xf32, #tpu.memory_space<vmem>>) dst(%dma_wait3A_80 : memref<128x128xf32, #tpu.memory_space<hbm>>)
      tpu.yield
    }) : () -> ()
    %add3A_46 = arith.constant 128 : i32
    %add3A_47 = arith.addi %mul3A_2, %add3A_46 : i32
    "tpu.region"() ({
      %run_scoped3A = tpu.sem_alloc : memref<!tpu.dma_semaphore, #tpu.memory_space<semaphore_mem>>
      %dma_start3A = arith.constant 0 : i32
      %dma_start3A_62 = arith.constant 0 : i32
      %dma_start3A_63 = tpu.memref_slice %arg8[%dma_start3A, %dma_start3A_62] : memref<128x128xf32, #tpu.memory_space<vmem>> -> memref<128x128xf32, #tpu.memory_space<vmem>>
      %dma_start3A_64 = arith.constant 0 : i32
      %dma_start3A_65 = tpu.memref_slice %arg6[%add3A_47, %dma_start3A_64] : memref<10112x128xf32, #tpu.memory_space<vmem_shared>> -> memref<128x128xf32, #tpu.memory_space<vmem_shared>>
      %dma_start3A_66 = arith.constant 0 : i32
      %dma_start3A_67 = arith.constant 0 : i32
      %dma_start3A_68 = tpu.memref_slice %arg8[%dma_start3A_66, %dma_start3A_67] : memref<128x128xf32, #tpu.memory_space<vmem>> -> memref<128x128xf32, #tpu.memory_space<vmem>>
      %dma_start3A_69 = arith.constant 0 : i32
      %dma_start3A_70 = tpu.memref_slice %arg6[%add3A_47, %dma_start3A_69] : memref<10112x128xf32, #tpu.memory_space<vmem_shared>> -> memref<128x128xf32, #tpu.memory_space<vmem_shared>>
      tpu.enqueue_dma source(%dma_start3A_70 : memref<128x128xf32, #tpu.memory_space<vmem_shared>>) target(%dma_start3A_68 : memref<128x128xf32, #tpu.memory_space<vmem>>) target_semaphore(%run_scoped3A : memref<!tpu.dma_semaphore, #tpu.memory_space<semaphore_mem>>)
      %dma_wait3A = arith.constant 0 : i32
      %dma_wait3A_71 = arith.constant 0 : i32
      %dma_wait3A_72 = tpu.memref_slice %arg8[%dma_wait3A, %dma_wait3A_71] : memref<128x128xf32, #tpu.memory_space<vmem>> -> memref<128x128xf32, #tpu.memory_space<vmem>>
      %dma_wait3A_73 = arith.constant 0 : i32
      %dma_wait3A_74 = tpu.memref_slice %arg6[%add3A_47, %dma_wait3A_73] : memref<10112x128xf32, #tpu.memory_space<vmem_shared>> -> memref<128x128xf32, #tpu.memory_space<vmem_shared>>
      %dma_wait3A_75 = arith.constant 0 : i32
      %dma_wait3A_76 = arith.constant 0 : i32
      %dma_wait3A_77 = tpu.memref_slice %arg8[%dma_wait3A_75, %dma_wait3A_76] : memref<128x128xf32, #tpu.memory_space<vmem>> -> memref<128x128xf32, #tpu.memory_space<vmem>>
      %dma_wait3A_78 = arith.constant 0 : i32
      %dma_wait3A_79 = tpu.memref_slice %arg6[%add3A_47, %dma_wait3A_78] : memref<10112x128xf32, #tpu.memory_space<vmem_shared>> -> memref<128x128xf32, #tpu.memory_space<vmem_shared>>
      tpu.wait_dma2 semaphore(%run_scoped3A : memref<!tpu.dma_semaphore, #tpu.memory_space<semaphore_mem>>) src(%dma_wait3A_79 : memref<128x128xf32, #tpu.memory_space<vmem_shared>>) dst(%dma_wait3A_77 : memref<128x128xf32, #tpu.memory_space<vmem>>)
      tpu.yield
    }) : () -> ()
    %add3A_48 = arith.constant 128 : i32
    %add3A_49 = arith.addi %mul3A_2, %add3A_48 : i32
    "tpu.region"() ({
      %run_scoped3A = tpu.sem_alloc : memref<!tpu.dma_semaphore, #tpu.memory_space<semaphore_mem>>
      %dma_start3A = arith.constant 0 : i32
      %dma_start3A_62 = arith.constant 0 : i32
      %dma_start3A_63 = tpu.memref_slice %arg8[%dma_start3A, %dma_start3A_62] : memref<128x128xf32, #tpu.memory_space<vmem>> -> memref<128x128xf32, #tpu.memory_space<vmem>>
      %dma_start3A_64 = arith.constant 0 : i32
      %dma_start3A_65 = tpu.memref_slice %arg5[%arg0, %add3A_49, %dma_start3A_64] : memref<2x10112x128xf32, #tpu.memory_space<hbm>> -> memref<1x128x128xf32, #tpu.memory_space<hbm>>
      %dma_start3A_66 = tpu.memref_squeeze %dma_start3A_65 : memref<1x128x128xf32, #tpu.memory_space<hbm>> -> memref<128x128xf32, #tpu.memory_space<hbm>>
      %dma_start3A_67 = arith.constant 0 : i32
      %dma_start3A_68 = tpu.memref_slice %arg5[%arg0, %add3A_49, %dma_start3A_67] : memref<2x10112x128xf32, #tpu.memory_space<hbm>> -> memref<1x128x128xf32, #tpu.memory_space<hbm>>
      %dma_start3A_69 = tpu.memref_squeeze %dma_start3A_68 : memref<1x128x128xf32, #tpu.memory_space<hbm>> -> memref<128x128xf32, #tpu.memory_space<hbm>>
      %dma_start3A_70 = arith.constant 0 : i32
      %dma_start3A_71 = arith.constant 0 : i32
      %dma_start3A_72 = tpu.memref_slice %arg8[%dma_start3A_70, %dma_start3A_71] : memref<128x128xf32, #tpu.memory_space<vmem>> -> memref<128x128xf32, #tpu.memory_space<vmem>>
      tpu.enqueue_dma source(%dma_start3A_72 : memref<128x128xf32, #tpu.memory_space<vmem>>) target(%dma_start3A_69 : memref<128x128xf32, #tpu.memory_space<hbm>>) target_semaphore(%run_scoped3A : memref<!tpu.dma_semaphore, #tpu.memory_space<semaphore_mem>>)
      %dma_wait3A = arith.constant 0 : i32
      %dma_wait3A_73 = arith.constant 0 : i32
      %dma_wait3A_74 = tpu.memref_slice %arg8[%dma_wait3A, %dma_wait3A_73] : memref<128x128xf32, #tpu.memory_space<vmem>> -> memref<128x128xf32, #tpu.memory_space<vmem>>
      %dma_wait3A_75 = arith.constant 0 : i32
      %dma_wait3A_76 = tpu.memref_slice %arg5[%arg0, %add3A_49, %dma_wait3A_75] : memref<2x10112x128xf32, #tpu.memory_space<hbm>> -> memref<1x128x128xf32, #tpu.memory_space<hbm>>
      %dma_wait3A_77 = tpu.memref_squeeze %dma_wait3A_76 : memref<1x128x128xf32, #tpu.memory_space<hbm>> -> memref<128x128xf32, #tpu.memory_space<hbm>>
      %dma_wait3A_78 = arith.constant 0 : i32
      %dma_wait3A_79 = tpu.memref_slice %arg5[%arg0, %add3A_49, %dma_wait3A_78] : memref<2x10112x128xf32, #tpu.memory_space<hbm>> -> memref<1x128x128xf32, #tpu.memory_space<hbm>>
      %dma_wait3A_80 = tpu.memref_squeeze %dma_wait3A_79 : memref<1x128x128xf32, #tpu.memory_space<hbm>> -> memref<128x128xf32, #tpu.memory_space<hbm>>
      %dma_wait3A_81 = arith.constant 0 : i32
      %dma_wait3A_82 = arith.constant 0 : i32
      %dma_wait3A_83 = tpu.memref_slice %arg8[%dma_wait3A_81, %dma_wait3A_82] : memref<128x128xf32, #tpu.memory_space<vmem>> -> memref<128x128xf32, #tpu.memory_space<vmem>>
      tpu.wait_dma2 semaphore(%run_scoped3A : memref<!tpu.dma_semaphore, #tpu.memory_space<semaphore_mem>>) src(%dma_wait3A_83 : memref<128x128xf32, #tpu.memory_space<vmem>>) dst(%dma_wait3A_80 : memref<128x128xf32, #tpu.memory_space<hbm>>)
      tpu.yield
    }) : () -> ()
    %add3A_50 = arith.constant 256 : i32
    %add3A_51 = arith.addi %mul3A_2, %add3A_50 : i32
    "tpu.region"() ({
      %run_scoped3A = tpu.sem_alloc : memref<!tpu.dma_semaphore, #tpu.memory_space<semaphore_mem>>
      %dma_start3A = arith.constant 0 : i32
      %dma_start3A_62 = arith.constant 0 : i32
      %dma_start3A_63 = tpu.memref_slice %arg8[%dma_start3A, %dma_start3A_62] : memref<128x128xf32, #tpu.memory_space<vmem>> -> memref<128x128xf32, #tpu.memory_space<vmem>>
      %dma_start3A_64 = arith.constant 0 : i32
      %dma_start3A_65 = tpu.memref_slice %arg6[%add3A_51, %dma_start3A_64] : memref<10112x128xf32, #tpu.memory_space<vmem_shared>> -> memref<128x128xf32, #tpu.memory_space<vmem_shared>>
      %dma_start3A_66 = arith.constant 0 : i32
      %dma_start3A_67 = arith.constant 0 : i32
      %dma_start3A_68 = tpu.memref_slice %arg8[%dma_start3A_66, %dma_start3A_67] : memref<128x128xf32, #tpu.memory_space<vmem>> -> memref<128x128xf32, #tpu.memory_space<vmem>>
      %dma_start3A_69 = arith.constant 0 : i32
      %dma_start3A_70 = tpu.memref_slice %arg6[%add3A_51, %dma_start3A_69] : memref<10112x128xf32, #tpu.memory_space<vmem_shared>> -> memref<128x128xf32, #tpu.memory_space<vmem_shared>>
      tpu.enqueue_dma source(%dma_start3A_70 : memref<128x128xf32, #tpu.memory_space<vmem_shared>>) target(%dma_start3A_68 : memref<128x128xf32, #tpu.memory_space<vmem>>) target_semaphore(%run_scoped3A : memref<!tpu.dma_semaphore, #tpu.memory_space<semaphore_mem>>)
      %dma_wait3A = arith.constant 0 : i32
      %dma_wait3A_71 = arith.constant 0 : i32
      %dma_wait3A_72 = tpu.memref_slice %arg8[%dma_wait3A, %dma_wait3A_71] : memref<128x128xf32, #tpu.memory_space<vmem>> -> memref<128x128xf32, #tpu.memory_space<vmem>>
      %dma_wait3A_73 = arith.constant 0 : i32
      %dma_wait3A_74 = tpu.memref_slice %arg6[%add3A_51, %dma_wait3A_73] : memref<10112x128xf32, #tpu.memory_space<vmem_shared>> -> memref<128x128xf32, #tpu.memory_space<vmem_shared>>
      %dma_wait3A_75 = arith.constant 0 : i32
      %dma_wait3A_76 = arith.constant 0 : i32
      %dma_wait3A_77 = tpu.memref_slice %arg8[%dma_wait3A_75, %dma_wait3A_76] : memref<128x128xf32, #tpu.memory_space<vmem>> -> memref<128x128xf32, #tpu.memory_space<vmem>>
      %dma_wait3A_78 = arith.constant 0 : i32
      %dma_wait3A_79 = tpu.memref_slice %arg6[%add3A_51, %dma_wait3A_78] : memref<10112x128xf32, #tpu.memory_space<vmem_shared>> -> memref<128x128xf32, #tpu.memory_space<vmem_shared>>
      tpu.wait_dma2 semaphore(%run_scoped3A : memref<!tpu.dma_semaphore, #tpu.memory_space<semaphore_mem>>) src(%dma_wait3A_79 : memref<128x128xf32, #tpu.memory_space<vmem_shared>>) dst(%dma_wait3A_77 : memref<128x128xf32, #tpu.memory_space<vmem>>)
      tpu.yield
    }) : () -> ()
    %add3A_52 = arith.constant 256 : i32
    %add3A_53 = arith.addi %mul3A_2, %add3A_52 : i32
    "tpu.region"() ({
      %run_scoped3A = tpu.sem_alloc : memref<!tpu.dma_semaphore, #tpu.memory_space<semaphore_mem>>
      %dma_start3A = arith.constant 0 : i32
      %dma_start3A_62 = arith.constant 0 : i32
      %dma_start3A_63 = tpu.memref_slice %arg8[%dma_start3A, %dma_start3A_62] : memref<128x128xf32, #tpu.memory_space<vmem>> -> memref<128x128xf32, #tpu.memory_space<vmem>>
      %dma_start3A_64 = arith.constant 0 : i32
      %dma_start3A_65 = tpu.memref_slice %arg5[%arg0, %add3A_53, %dma_start3A_64] : memref<2x10112x128xf32, #tpu.memory_space<hbm>> -> memref<1x128x128xf32, #tpu.memory_space<hbm>>
      %dma_start3A_66 = tpu.memref_squeeze %dma_start3A_65 : memref<1x128x128xf32, #tpu.memory_space<hbm>> -> memref<128x128xf32, #tpu.memory_space<hbm>>
      %dma_start3A_67 = arith.constant 0 : i32
      %dma_start3A_68 = tpu.memref_slice %arg5[%arg0, %add3A_53, %dma_start3A_67] : memref<2x10112x128xf32, #tpu.memory_space<hbm>> -> memref<1x128x128xf32, #tpu.memory_space<hbm>>
      %dma_start3A_69 = tpu.memref_squeeze %dma_start3A_68 : memref<1x128x128xf32, #tpu.memory_space<hbm>> -> memref<128x128xf32, #tpu.memory_space<hbm>>
      %dma_start3A_70 = arith.constant 0 : i32
      %dma_start3A_71 = arith.constant 0 : i32
      %dma_start3A_72 = tpu.memref_slice %arg8[%dma_start3A_70, %dma_start3A_71] : memref<128x128xf32, #tpu.memory_space<vmem>> -> memref<128x128xf32, #tpu.memory_space<vmem>>
      tpu.enqueue_dma source(%dma_start3A_72 : memref<128x128xf32, #tpu.memory_space<vmem>>) target(%dma_start3A_69 : memref<128x128xf32, #tpu.memory_space<hbm>>) target_semaphore(%run_scoped3A : memref<!tpu.dma_semaphore, #tpu.memory_space<semaphore_mem>>)
      %dma_wait3A = arith.constant 0 : i32
      %dma_wait3A_73 = arith.constant 0 : i32
      %dma_wait3A_74 = tpu.memref_slice %arg8[%dma_wait3A, %dma_wait3A_73] : memref<128x128xf32, #tpu.memory_space<vmem>> -> memref<128x128xf32, #tpu.memory_space<vmem>>
      %dma_wait3A_75 = arith.constant 0 : i32
      %dma_wait3A_76 = tpu.memref_slice %arg5[%arg0, %add3A_53, %dma_wait3A_75] : memref<2x10112x128xf32, #tpu.memory_space<hbm>> -> memref<1x128x128xf32, #tpu.memory_space<hbm>>
      %dma_wait3A_77 = tpu.memref_squeeze %dma_wait3A_76 : memref<1x128x128xf32, #tpu.memory_space<hbm>> -> memref<128x128xf32, #tpu.memory_space<hbm>>
      %dma_wait3A_78 = arith.constant 0 : i32
      %dma_wait3A_79 = tpu.memref_slice %arg5[%arg0, %add3A_53, %dma_wait3A_78] : memref<2x10112x128xf32, #tpu.memory_space<hbm>> -> memref<1x128x128xf32, #tpu.memory_space<hbm>>
      %dma_wait3A_80 = tpu.memref_squeeze %dma_wait3A_79 : memref<1x128x128xf32, #tpu.memory_space<hbm>> -> memref<128x128xf32, #tpu.memory_space<hbm>>
      %dma_wait3A_81 = arith.constant 0 : i32
      %dma_wait3A_82 = arith.constant 0 : i32
      %dma_wait3A_83 = tpu.memref_slice %arg8[%dma_wait3A_81, %dma_wait3A_82] : memref<128x128xf32, #tpu.memory_space<vmem>> -> memref<128x128xf32, #tpu.memory_space<vmem>>
      tpu.wait_dma2 semaphore(%run_scoped3A : memref<!tpu.dma_semaphore, #tpu.memory_space<semaphore_mem>>) src(%dma_wait3A_83 : memref<128x128xf32, #tpu.memory_space<vmem>>) dst(%dma_wait3A_80 : memref<128x128xf32, #tpu.memory_space<hbm>>)
      tpu.yield
    }) : () -> ()
    %add3A_54 = arith.constant 384 : i32
    %add3A_55 = arith.addi %mul3A_2, %add3A_54 : i32
    "tpu.region"() ({
      %run_scoped3A = tpu.sem_alloc : memref<!tpu.dma_semaphore, #tpu.memory_space<semaphore_mem>>
      %dma_start3A = arith.constant 0 : i32
      %dma_start3A_62 = arith.constant 0 : i32
      %dma_start3A_63 = tpu.memref_slice %arg8[%dma_start3A, %dma_start3A_62] : memref<128x128xf32, #tpu.memory_space<vmem>> -> memref<128x128xf32, #tpu.memory_space<vmem>>
      %dma_start3A_64 = arith.constant 0 : i32
      %dma_start3A_65 = tpu.memref_slice %arg6[%add3A_55, %dma_start3A_64] : memref<10112x128xf32, #tpu.memory_space<vmem_shared>> -> memref<128x128xf32, #tpu.memory_space<vmem_shared>>
      %dma_start3A_66 = arith.constant 0 : i32
      %dma_start3A_67 = arith.constant 0 : i32
      %dma_start3A_68 = tpu.memref_slice %arg8[%dma_start3A_66, %dma_start3A_67] : memref<128x128xf32, #tpu.memory_space<vmem>> -> memref<128x128xf32, #tpu.memory_space<vmem>>
      %dma_start3A_69 = arith.constant 0 : i32
      %dma_start3A_70 = tpu.memref_slice %arg6[%add3A_55, %dma_start3A_69] : memref<10112x128xf32, #tpu.memory_space<vmem_shared>> -> memref<128x128xf32, #tpu.memory_space<vmem_shared>>
      tpu.enqueue_dma source(%dma_start3A_70 : memref<128x128xf32, #tpu.memory_space<vmem_shared>>) target(%dma_start3A_68 : memref<128x128xf32, #tpu.memory_space<vmem>>) target_semaphore(%run_scoped3A : memref<!tpu.dma_semaphore, #tpu.memory_space<semaphore_mem>>)
      %dma_wait3A = arith.constant 0 : i32
      %dma_wait3A_71 = arith.constant 0 : i32
      %dma_wait3A_72 = tpu.memref_slice %arg8[%dma_wait3A, %dma_wait3A_71] : memref<128x128xf32, #tpu.memory_space<vmem>> -> memref<128x128xf32, #tpu.memory_space<vmem>>
      %dma_wait3A_73 = arith.constant 0 : i32
      %dma_wait3A_74 = tpu.memref_slice %arg6[%add3A_55, %dma_wait3A_73] : memref<10112x128xf32, #tpu.memory_space<vmem_shared>> -> memref<128x128xf32, #tpu.memory_space<vmem_shared>>
      %dma_wait3A_75 = arith.constant 0 : i32
      %dma_wait3A_76 = arith.constant 0 : i32
      %dma_wait3A_77 = tpu.memref_slice %arg8[%dma_wait3A_75, %dma_wait3A_76] : memref<128x128xf32, #tpu.memory_space<vmem>> -> memref<128x128xf32, #tpu.memory_space<vmem>>
      %dma_wait3A_78 = arith.constant 0 : i32
      %dma_wait3A_79 = tpu.memref_slice %arg6[%add3A_55, %dma_wait3A_78] : memref<10112x128xf32, #tpu.memory_space<vmem_shared>> -> memref<128x128xf32, #tpu.memory_space<vmem_shared>>
      tpu.wait_dma2 semaphore(%run_scoped3A : memref<!tpu.dma_semaphore, #tpu.memory_space<semaphore_mem>>) src(%dma_wait3A_79 : memref<128x128xf32, #tpu.memory_space<vmem_shared>>) dst(%dma_wait3A_77 : memref<128x128xf32, #tpu.memory_space<vmem>>)
      tpu.yield
    }) : () -> ()
    %add3A_56 = arith.constant 384 : i32
    %add3A_57 = arith.addi %mul3A_2, %add3A_56 : i32
    "tpu.region"() ({
      %run_scoped3A = tpu.sem_alloc : memref<!tpu.dma_semaphore, #tpu.memory_space<semaphore_mem>>
      %dma_start3A = arith.constant 0 : i32
      %dma_start3A_62 = arith.constant 0 : i32
      %dma_start3A_63 = tpu.memref_slice %arg8[%dma_start3A, %dma_start3A_62] : memref<128x128xf32, #tpu.memory_space<vmem>> -> memref<128x128xf32, #tpu.memory_space<vmem>>
      %dma_start3A_64 = arith.constant 0 : i32
      %dma_start3A_65 = tpu.memref_slice %arg5[%arg0, %add3A_57, %dma_start3A_64] : memref<2x10112x128xf32, #tpu.memory_space<hbm>> -> memref<1x128x128xf32, #tpu.memory_space<hbm>>
      %dma_start3A_66 = tpu.memref_squeeze %dma_start3A_65 : memref<1x128x128xf32, #tpu.memory_space<hbm>> -> memref<128x128xf32, #tpu.memory_space<hbm>>
      %dma_start3A_67 = arith.constant 0 : i32
      %dma_start3A_68 = tpu.memref_slice %arg5[%arg0, %add3A_57, %dma_start3A_67] : memref<2x10112x128xf32, #tpu.memory_space<hbm>> -> memref<1x128x128xf32, #tpu.memory_space<hbm>>
      %dma_start3A_69 = tpu.memref_squeeze %dma_start3A_68 : memref<1x128x128xf32, #tpu.memory_space<hbm>> -> memref<128x128xf32, #tpu.memory_space<hbm>>
      %dma_start3A_70 = arith.constant 0 : i32
      %dma_start3A_71 = arith.constant 0 : i32
      %dma_start3A_72 = tpu.memref_slice %arg8[%dma_start3A_70, %dma_start3A_71] : memref<128x128xf32, #tpu.memory_space<vmem>> -> memref<128x128xf32, #tpu.memory_space<vmem>>
      tpu.enqueue_dma source(%dma_start3A_72 : memref<128x128xf32, #tpu.memory_space<vmem>>) target(%dma_start3A_69 : memref<128x128xf32, #tpu.memory_space<hbm>>) target_semaphore(%run_scoped3A : memref<!tpu.dma_semaphore, #tpu.memory_space<semaphore_mem>>)
      %dma_wait3A = arith.constant 0 : i32
      %dma_wait3A_73 = arith.constant 0 : i32
      %dma_wait3A_74 = tpu.memref_slice %arg8[%dma_wait3A, %dma_wait3A_73] : memref<128x128xf32, #tpu.memory_space<vmem>> -> memref<128x128xf32, #tpu.memory_space<vmem>>
      %dma_wait3A_75 = arith.constant 0 : i32
      %dma_wait3A_76 = tpu.memref_slice %arg5[%arg0, %add3A_57, %dma_wait3A_75] : memref<2x10112x128xf32, #tpu.memory_space<hbm>> -> memref<1x128x128xf32, #tpu.memory_space<hbm>>
      %dma_wait3A_77 = tpu.memref_squeeze %dma_wait3A_76 : memref<1x128x128xf32, #tpu.memory_space<hbm>> -> memref<128x128xf32, #tpu.memory_space<hbm>>
      %dma_wait3A_78 = arith.constant 0 : i32
      %dma_wait3A_79 = tpu.memref_slice %arg5[%arg0, %add3A_57, %dma_wait3A_78] : memref<2x10112x128xf32, #tpu.memory_space<hbm>> -> memref<1x128x128xf32, #tpu.memory_space<hbm>>
      %dma_wait3A_80 = tpu.memref_squeeze %dma_wait3A_79 : memref<1x128x128xf32, #tpu.memory_space<hbm>> -> memref<128x128xf32, #tpu.memory_space<hbm>>
      %dma_wait3A_81 = arith.constant 0 : i32
      %dma_wait3A_82 = arith.constant 0 : i32
      %dma_wait3A_83 = tpu.memref_slice %arg8[%dma_wait3A_81, %dma_wait3A_82] : memref<128x128xf32, #tpu.memory_space<vmem>> -> memref<128x128xf32, #tpu.memory_space<vmem>>
      tpu.wait_dma2 semaphore(%run_scoped3A : memref<!tpu.dma_semaphore, #tpu.memory_space<semaphore_mem>>) src(%dma_wait3A_83 : memref<128x128xf32, #tpu.memory_space<vmem>>) dst(%dma_wait3A_80 : memref<128x128xf32, #tpu.memory_space<hbm>>)
      tpu.yield
    }) : () -> ()
    %add3A_58 = arith.constant 512 : i32
    %add3A_59 = arith.addi %mul3A_2, %add3A_58 : i32
    "tpu.region"() ({
      %run_scoped3A = tpu.sem_alloc : memref<!tpu.dma_semaphore, #tpu.memory_space<semaphore_mem>>
      %dma_start3A = arith.constant 0 : i32
      %dma_start3A_62 = arith.constant 0 : i32
      %dma_start3A_63 = tpu.memref_slice %arg8[%dma_start3A, %dma_start3A_62] : memref<128x128xf32, #tpu.memory_space<vmem>> -> memref<120x128xf32, #tpu.memory_space<vmem>>
      %dma_start3A_64 = arith.constant 0 : i32
      %dma_start3A_65 = tpu.memref_slice %arg6[%add3A_59, %dma_start3A_64] : memref<10112x128xf32, #tpu.memory_space<vmem_shared>> -> memref<120x128xf32, #tpu.memory_space<vmem_shared>>
      %dma_start3A_66 = arith.constant 0 : i32
      %dma_start3A_67 = arith.constant 0 : i32
      %dma_start3A_68 = tpu.memref_slice %arg8[%dma_start3A_66, %dma_start3A_67] : memref<128x128xf32, #tpu.memory_space<vmem>> -> memref<120x128xf32, #tpu.memory_space<vmem>>
      %dma_start3A_69 = arith.constant 0 : i32
      %dma_start3A_70 = tpu.memref_slice %arg6[%add3A_59, %dma_start3A_69] : memref<10112x128xf32, #tpu.memory_space<vmem_shared>> -> memref<120x128xf32, #tpu.memory_space<vmem_shared>>
      tpu.enqueue_dma source(%dma_start3A_70 : memref<120x128xf32, #tpu.memory_space<vmem_shared>>) target(%dma_start3A_68 : memref<120x128xf32, #tpu.memory_space<vmem>>) target_semaphore(%run_scoped3A : memref<!tpu.dma_semaphore, #tpu.memory_space<semaphore_mem>>)
      %dma_wait3A = arith.constant 0 : i32
      %dma_wait3A_71 = arith.constant 0 : i32
      %dma_wait3A_72 = tpu.memref_slice %arg8[%dma_wait3A, %dma_wait3A_71] : memref<128x128xf32, #tpu.memory_space<vmem>> -> memref<120x128xf32, #tpu.memory_space<vmem>>
      %dma_wait3A_73 = arith.constant 0 : i32
      %dma_wait3A_74 = tpu.memref_slice %arg6[%add3A_59, %dma_wait3A_73] : memref<10112x128xf32, #tpu.memory_space<vmem_shared>> -> memref<120x128xf32, #tpu.memory_space<vmem_shared>>
      %dma_wait3A_75 = arith.constant 0 : i32
      %dma_wait3A_76 = arith.constant 0 : i32
      %dma_wait3A_77 = tpu.memref_slice %arg8[%dma_wait3A_75, %dma_wait3A_76] : memref<128x128xf32, #tpu.memory_space<vmem>> -> memref<120x128xf32, #tpu.memory_space<vmem>>
      %dma_wait3A_78 = arith.constant 0 : i32
      %dma_wait3A_79 = tpu.memref_slice %arg6[%add3A_59, %dma_wait3A_78] : memref<10112x128xf32, #tpu.memory_space<vmem_shared>> -> memref<120x128xf32, #tpu.memory_space<vmem_shared>>
      tpu.wait_dma2 semaphore(%run_scoped3A : memref<!tpu.dma_semaphore, #tpu.memory_space<semaphore_mem>>) src(%dma_wait3A_79 : memref<120x128xf32, #tpu.memory_space<vmem_shared>>) dst(%dma_wait3A_77 : memref<120x128xf32, #tpu.memory_space<vmem>>)
      tpu.yield
    }) : () -> ()
    %add3A_60 = arith.constant 512 : i32
    %add3A_61 = arith.addi %mul3A_2, %add3A_60 : i32
    "tpu.region"() ({
      %run_scoped3A = tpu.sem_alloc : memref<!tpu.dma_semaphore, #tpu.memory_space<semaphore_mem>>
      %dma_start3A = arith.constant 0 : i32
      %dma_start3A_62 = arith.constant 0 : i32
      %dma_start3A_63 = tpu.memref_slice %arg8[%dma_start3A, %dma_start3A_62] : memref<128x128xf32, #tpu.memory_space<vmem>> -> memref<120x128xf32, #tpu.memory_space<vmem>>
      %dma_start3A_64 = arith.constant 0 : i32
      %dma_start3A_65 = tpu.memref_slice %arg5[%arg0, %add3A_61, %dma_start3A_64] : memref<2x10112x128xf32, #tpu.memory_space<hbm>> -> memref<1x120x128xf32, #tpu.memory_space<hbm>>
      %dma_start3A_66 = tpu.memref_squeeze %dma_start3A_65 : memref<1x120x128xf32, #tpu.memory_space<hbm>> -> memref<120x128xf32, #tpu.memory_space<hbm>>
      %dma_start3A_67 = arith.constant 0 : i32
      %dma_start3A_68 = tpu.memref_slice %arg5[%arg0, %add3A_61, %dma_start3A_67] : memref<2x10112x128xf32, #tpu.memory_space<hbm>> -> memref<1x120x128xf32, #tpu.memory_space<hbm>>
      %dma_start3A_69 = tpu.memref_squeeze %dma_start3A_68 : memref<1x120x128xf32, #tpu.memory_space<hbm>> -> memref<120x128xf32, #tpu.memory_space<hbm>>
      %dma_start3A_70 = arith.constant 0 : i32
      %dma_start3A_71 = arith.constant 0 : i32
      %dma_start3A_72 = tpu.memref_slice %arg8[%dma_start3A_70, %dma_start3A_71] : memref<128x128xf32, #tpu.memory_space<vmem>> -> memref<120x128xf32, #tpu.memory_space<vmem>>
      tpu.enqueue_dma source(%dma_start3A_72 : memref<120x128xf32, #tpu.memory_space<vmem>>) target(%dma_start3A_69 : memref<120x128xf32, #tpu.memory_space<hbm>>) target_semaphore(%run_scoped3A : memref<!tpu.dma_semaphore, #tpu.memory_space<semaphore_mem>>)
      %dma_wait3A = arith.constant 0 : i32
      %dma_wait3A_73 = arith.constant 0 : i32
      %dma_wait3A_74 = tpu.memref_slice %arg8[%dma_wait3A, %dma_wait3A_73] : memref<128x128xf32, #tpu.memory_space<vmem>> -> memref<120x128xf32, #tpu.memory_space<vmem>>
      %dma_wait3A_75 = arith.constant 0 : i32
      %dma_wait3A_76 = tpu.memref_slice %arg5[%arg0, %add3A_61, %dma_wait3A_75] : memref<2x10112x128xf32, #tpu.memory_space<hbm>> -> memref<1x120x128xf32, #tpu.memory_space<hbm>>
      %dma_wait3A_77 = tpu.memref_squeeze %dma_wait3A_76 : memref<1x120x128xf32, #tpu.memory_space<hbm>> -> memref<120x128xf32, #tpu.memory_space<hbm>>
      %dma_wait3A_78 = arith.constant 0 : i32
      %dma_wait3A_79 = tpu.memref_slice %arg5[%arg0, %add3A_61, %dma_wait3A_78] : memref<2x10112x128xf32, #tpu.memory_space<hbm>> -> memref<1x120x128xf32, #tpu.memory_space<hbm>>
      %dma_wait3A_80 = tpu.memref_squeeze %dma_wait3A_79 : memref<1x120x128xf32, #tpu.memory_space<hbm>> -> memref<120x128xf32, #tpu.memory_space<hbm>>
      %dma_wait3A_81 = arith.constant 0 : i32
      %dma_wait3A_82 = arith.constant 0 : i32
      %dma_wait3A_83 = tpu.memref_slice %arg8[%dma_wait3A_81, %dma_wait3A_82] : memref<128x128xf32, #tpu.memory_space<vmem>> -> memref<120x128xf32, #tpu.memory_space<vmem>>
      tpu.wait_dma2 semaphore(%run_scoped3A : memref<!tpu.dma_semaphore, #tpu.memory_space<semaphore_mem>>) src(%dma_wait3A_83 : memref<120x128xf32, #tpu.memory_space<vmem>>) dst(%dma_wait3A_80 : memref<120x128xf32, #tpu.memory_space<hbm>>)
      tpu.yield
    }) : () -> ()
    return
  }
}

#map = affine_map<(d0, d1) -> (0, 0)>
#map1 = affine_map<(d0, d1) -> (0, 0, 0)>
module attributes {stable_mosaic.version = 14 : i64} {
  func.func @body(%arg0: i32, %arg1: i32, %arg2: memref<10000x128xf32, #tpu.memory_space<hbm>>, %arg3: memref<2531x2x128xi32, #tpu.memory_space<hbm>>, %arg4: memref<128x128xf32, #tpu.memory_space<hbm>>, %arg5: memref<2x10112x128xf32, #tpu.memory_space<hbm>>, %arg6: memref<32x10112xf32, #tpu.memory_space<hbm>>, %arg7: memref<10112x128xf32, #tpu.memory_space<vmem_shared>>, %arg8: memref<88x2x128xi32, #tpu.memory_space<vmem>>, %arg9: memref<128x128xf32, #tpu.memory_space<vmem>>, %arg10: memref<10112xf32, #tpu.memory_space<vmem>>) attributes {dimension_semantics = [#tpu.dimension_semantics<core_parallel>, #tpu.dimension_semantics<subcore_parallel>], iteration_bounds = array<i64: 2, 16>, scalar_prefetch = 0 : i64, scratch_operands = 4 : i64, tpu.core_type = #tpu.core_type<sc_vector_subcore>, window_params = [{transform_indices = #map}, {transform_indices = #map1}, {transform_indices = #map}, {transform_indices = #map1}, {transform_indices = #map}]} {
    %mul3A = arith.constant 2 : i32
    %mul3A_0 = arith.muli %arg1, %mul3A : i32
    %add3A = arith.addi %mul3A_0, %arg0 : i32
    %mul3A_1 = arith.constant 632 : i32
    %mul3A_2 = arith.muli %arg1, %mul3A_1 : i32
    "tpu.region"() ({
      %run_scoped3A = tpu.sem_alloc : memref<!tpu.dma_semaphore, #tpu.memory_space<semaphore_mem>>
      tpu.enqueue_dma source(%arg4 : memref<128x128xf32, #tpu.memory_space<hbm>>) target(%arg9 : memref<128x128xf32, #tpu.memory_space<vmem>>) target_semaphore(%run_scoped3A : memref<!tpu.dma_semaphore, #tpu.memory_space<semaphore_mem>>)
      tpu.wait_dma2 semaphore(%run_scoped3A : memref<!tpu.dma_semaphore, #tpu.memory_space<semaphore_mem>>) src(%arg4 : memref<128x128xf32, #tpu.memory_space<hbm>>) dst(%arg9 : memref<128x128xf32, #tpu.memory_space<vmem>>)
      tpu.yield
    }) : () -> ()
    %add3A_3 = arith.constant 0 : i32
    %add3A_4 = arith.addi %mul3A_2, %add3A_3 : i32
    "tpu.region"() ({
      %run_scoped3A = tpu.sem_alloc : memref<!tpu.dma_semaphore, #tpu.memory_space<semaphore_mem>>
      %dma_start3A = arith.constant 0 : i32
      %dma_start3A_68 = arith.constant 0 : i32
      %dma_start3A_69 = tpu.memref_slice %arg9[%dma_start3A, %dma_start3A_68] : memref<128x128xf32, #tpu.memory_space<vmem>> -> memref<128x128xf32, #tpu.memory_space<vmem>>
      %dma_start3A_70 = arith.constant 0 : i32
      %dma_start3A_71 = tpu.memref_slice %arg7[%add3A_4, %dma_start3A_70] : memref<10112x128xf32, #tpu.memory_space<vmem_shared>> -> memref<128x128xf32, #tpu.memory_space<vmem_shared>>
      %dma_start3A_72 = arith.constant 0 : i32
      %dma_start3A_73 = tpu.memref_slice %arg7[%add3A_4, %dma_start3A_72] : memref<10112x128xf32, #tpu.memory_space<vmem_shared>> -> memref<128x128xf32, #tpu.memory_space<vmem_shared>>
      %dma_start3A_74 = arith.constant 0 : i32
      %dma_start3A_75 = arith.constant 0 : i32
      %dma_start3A_76 = tpu.memref_slice %arg9[%dma_start3A_74, %dma_start3A_75] : memref<128x128xf32, #tpu.memory_space<vmem>> -> memref<128x128xf32, #tpu.memory_space<vmem>>
      tpu.enqueue_dma source(%dma_start3A_76 : memref<128x128xf32, #tpu.memory_space<vmem>>) target(%dma_start3A_73 : memref<128x128xf32, #tpu.memory_space<vmem_shared>>) target_semaphore(%run_scoped3A : memref<!tpu.dma_semaphore, #tpu.memory_space<semaphore_mem>>)
      %dma_wait3A = arith.constant 0 : i32
      %dma_wait3A_77 = arith.constant 0 : i32
      %dma_wait3A_78 = tpu.memref_slice %arg9[%dma_wait3A, %dma_wait3A_77] : memref<128x128xf32, #tpu.memory_space<vmem>> -> memref<128x128xf32, #tpu.memory_space<vmem>>
      %dma_wait3A_79 = arith.constant 0 : i32
      %dma_wait3A_80 = tpu.memref_slice %arg7[%add3A_4, %dma_wait3A_79] : memref<10112x128xf32, #tpu.memory_space<vmem_shared>> -> memref<128x128xf32, #tpu.memory_space<vmem_shared>>
      %dma_wait3A_81 = arith.constant 0 : i32
      %dma_wait3A_82 = tpu.memref_slice %arg7[%add3A_4, %dma_wait3A_81] : memref<10112x128xf32, #tpu.memory_space<vmem_shared>> -> memref<128x128xf32, #tpu.memory_space<vmem_shared>>
      %dma_wait3A_83 = arith.constant 0 : i32
      %dma_wait3A_84 = arith.constant 0 : i32
      %dma_wait3A_85 = tpu.memref_slice %arg9[%dma_wait3A_83, %dma_wait3A_84] : memref<128x128xf32, #tpu.memory_space<vmem>> -> memref<128x128xf32, #tpu.memory_space<vmem>>
      tpu.wait_dma2 semaphore(%run_scoped3A : memref<!tpu.dma_semaphore, #tpu.memory_space<semaphore_mem>>) src(%dma_wait3A_85 : memref<128x128xf32, #tpu.memory_space<vmem>>) dst(%dma_wait3A_82 : memref<128x128xf32, #tpu.memory_space<vmem_shared>>)
      tpu.yield
    }) : () -> ()
    %add3A_5 = arith.constant 128 : i32
    %add3A_6 = arith.addi %mul3A_2, %add3A_5 : i32
    "tpu.region"() ({
      %run_scoped3A = tpu.sem_alloc : memref<!tpu.dma_semaphore, #tpu.memory_space<semaphore_mem>>
      %dma_start3A = arith.constant 0 : i32
      %dma_start3A_68 = arith.constant 0 : i32
      %dma_start3A_69 = tpu.memref_slice %arg9[%dma_start3A, %dma_start3A_68] : memref<128x128xf32, #tpu.memory_space<vmem>> -> memref<128x128xf32, #tpu.memory_space<vmem>>
      %dma_start3A_70 = arith.constant 0 : i32
      %dma_start3A_71 = tpu.memref_slice %arg7[%add3A_6, %dma_start3A_70] : memref<10112x128xf32, #tpu.memory_space<vmem_shared>> -> memref<128x128xf32, #tpu.memory_space<vmem_shared>>
      %dma_start3A_72 = arith.constant 0 : i32
      %dma_start3A_73 = tpu.memref_slice %arg7[%add3A_6, %dma_start3A_72] : memref<10112x128xf32, #tpu.memory_space<vmem_shared>> -> memref<128x128xf32, #tpu.memory_space<vmem_shared>>
      %dma_start3A_74 = arith.constant 0 : i32
      %dma_start3A_75 = arith.constant 0 : i32
      %dma_start3A_76 = tpu.memref_slice %arg9[%dma_start3A_74, %dma_start3A_75] : memref<128x128xf32, #tpu.memory_space<vmem>> -> memref<128x128xf32, #tpu.memory_space<vmem>>
      tpu.enqueue_dma source(%dma_start3A_76 : memref<128x128xf32, #tpu.memory_space<vmem>>) target(%dma_start3A_73 : memref<128x128xf32, #tpu.memory_space<vmem_shared>>) target_semaphore(%run_scoped3A : memref<!tpu.dma_semaphore, #tpu.memory_space<semaphore_mem>>)
      %dma_wait3A = arith.constant 0 : i32
      %dma_wait3A_77 = arith.constant 0 : i32
      %dma_wait3A_78 = tpu.memref_slice %arg9[%dma_wait3A, %dma_wait3A_77] : memref<128x128xf32, #tpu.memory_space<vmem>> -> memref<128x128xf32, #tpu.memory_space<vmem>>
      %dma_wait3A_79 = arith.constant 0 : i32
      %dma_wait3A_80 = tpu.memref_slice %arg7[%add3A_6, %dma_wait3A_79] : memref<10112x128xf32, #tpu.memory_space<vmem_shared>> -> memref<128x128xf32, #tpu.memory_space<vmem_shared>>
      %dma_wait3A_81 = arith.constant 0 : i32
      %dma_wait3A_82 = tpu.memref_slice %arg7[%add3A_6, %dma_wait3A_81] : memref<10112x128xf32, #tpu.memory_space<vmem_shared>> -> memref<128x128xf32, #tpu.memory_space<vmem_shared>>
      %dma_wait3A_83 = arith.constant 0 : i32
      %dma_wait3A_84 = arith.constant 0 : i32
      %dma_wait3A_85 = tpu.memref_slice %arg9[%dma_wait3A_83, %dma_wait3A_84] : memref<128x128xf32, #tpu.memory_space<vmem>> -> memref<128x128xf32, #tpu.memory_space<vmem>>
      tpu.wait_dma2 semaphore(%run_scoped3A : memref<!tpu.dma_semaphore, #tpu.memory_space<semaphore_mem>>) src(%dma_wait3A_85 : memref<128x128xf32, #tpu.memory_space<vmem>>) dst(%dma_wait3A_82 : memref<128x128xf32, #tpu.memory_space<vmem_shared>>)
      tpu.yield
    }) : () -> ()
    %add3A_7 = arith.constant 256 : i32
    %add3A_8 = arith.addi %mul3A_2, %add3A_7 : i32
    "tpu.region"() ({
      %run_scoped3A = tpu.sem_alloc : memref<!tpu.dma_semaphore, #tpu.memory_space<semaphore_mem>>
      %dma_start3A = arith.constant 0 : i32
      %dma_start3A_68 = arith.constant 0 : i32
      %dma_start3A_69 = tpu.memref_slice %arg9[%dma_start3A, %dma_start3A_68] : memref<128x128xf32, #tpu.memory_space<vmem>> -> memref<128x128xf32, #tpu.memory_space<vmem>>
      %dma_start3A_70 = arith.constant 0 : i32
      %dma_start3A_71 = tpu.memref_slice %arg7[%add3A_8, %dma_start3A_70] : memref<10112x128xf32, #tpu.memory_space<vmem_shared>> -> memref<128x128xf32, #tpu.memory_space<vmem_shared>>
      %dma_start3A_72 = arith.constant 0 : i32
      %dma_start3A_73 = tpu.memref_slice %arg7[%add3A_8, %dma_start3A_72] : memref<10112x128xf32, #tpu.memory_space<vmem_shared>> -> memref<128x128xf32, #tpu.memory_space<vmem_shared>>
      %dma_start3A_74 = arith.constant 0 : i32
      %dma_start3A_75 = arith.constant 0 : i32
      %dma_start3A_76 = tpu.memref_slice %arg9[%dma_start3A_74, %dma_start3A_75] : memref<128x128xf32, #tpu.memory_space<vmem>> -> memref<128x128xf32, #tpu.memory_space<vmem>>
      tpu.enqueue_dma source(%dma_start3A_76 : memref<128x128xf32, #tpu.memory_space<vmem>>) target(%dma_start3A_73 : memref<128x128xf32, #tpu.memory_space<vmem_shared>>) target_semaphore(%run_scoped3A : memref<!tpu.dma_semaphore, #tpu.memory_space<semaphore_mem>>)
      %dma_wait3A = arith.constant 0 : i32
      %dma_wait3A_77 = arith.constant 0 : i32
      %dma_wait3A_78 = tpu.memref_slice %arg9[%dma_wait3A, %dma_wait3A_77] : memref<128x128xf32, #tpu.memory_space<vmem>> -> memref<128x128xf32, #tpu.memory_space<vmem>>
      %dma_wait3A_79 = arith.constant 0 : i32
      %dma_wait3A_80 = tpu.memref_slice %arg7[%add3A_8, %dma_wait3A_79] : memref<10112x128xf32, #tpu.memory_space<vmem_shared>> -> memref<128x128xf32, #tpu.memory_space<vmem_shared>>
      %dma_wait3A_81 = arith.constant 0 : i32
      %dma_wait3A_82 = tpu.memref_slice %arg7[%add3A_8, %dma_wait3A_81] : memref<10112x128xf32, #tpu.memory_space<vmem_shared>> -> memref<128x128xf32, #tpu.memory_space<vmem_shared>>
      %dma_wait3A_83 = arith.constant 0 : i32
      %dma_wait3A_84 = arith.constant 0 : i32
      %dma_wait3A_85 = tpu.memref_slice %arg9[%dma_wait3A_83, %dma_wait3A_84] : memref<128x128xf32, #tpu.memory_space<vmem>> -> memref<128x128xf32, #tpu.memory_space<vmem>>
      tpu.wait_dma2 semaphore(%run_scoped3A : memref<!tpu.dma_semaphore, #tpu.memory_space<semaphore_mem>>) src(%dma_wait3A_85 : memref<128x128xf32, #tpu.memory_space<vmem>>) dst(%dma_wait3A_82 : memref<128x128xf32, #tpu.memory_space<vmem_shared>>)
      tpu.yield
    }) : () -> ()
    %add3A_9 = arith.constant 384 : i32
    %add3A_10 = arith.addi %mul3A_2, %add3A_9 : i32
    "tpu.region"() ({
      %run_scoped3A = tpu.sem_alloc : memref<!tpu.dma_semaphore, #tpu.memory_space<semaphore_mem>>
      %dma_start3A = arith.constant 0 : i32
      %dma_start3A_68 = arith.constant 0 : i32
      %dma_start3A_69 = tpu.memref_slice %arg9[%dma_start3A, %dma_start3A_68] : memref<128x128xf32, #tpu.memory_space<vmem>> -> memref<128x128xf32, #tpu.memory_space<vmem>>
      %dma_start3A_70 = arith.constant 0 : i32
      %dma_start3A_71 = tpu.memref_slice %arg7[%add3A_10, %dma_start3A_70] : memref<10112x128xf32, #tpu.memory_space<vmem_shared>> -> memref<128x128xf32, #tpu.memory_space<vmem_shared>>
      %dma_start3A_72 = arith.constant 0 : i32
      %dma_start3A_73 = tpu.memref_slice %arg7[%add3A_10, %dma_start3A_72] : memref<10112x128xf32, #tpu.memory_space<vmem_shared>> -> memref<128x128xf32, #tpu.memory_space<vmem_shared>>
      %dma_start3A_74 = arith.constant 0 : i32
      %dma_start3A_75 = arith.constant 0 : i32
      %dma_start3A_76 = tpu.memref_slice %arg9[%dma_start3A_74, %dma_start3A_75] : memref<128x128xf32, #tpu.memory_space<vmem>> -> memref<128x128xf32, #tpu.memory_space<vmem>>
      tpu.enqueue_dma source(%dma_start3A_76 : memref<128x128xf32, #tpu.memory_space<vmem>>) target(%dma_start3A_73 : memref<128x128xf32, #tpu.memory_space<vmem_shared>>) target_semaphore(%run_scoped3A : memref<!tpu.dma_semaphore, #tpu.memory_space<semaphore_mem>>)
      %dma_wait3A = arith.constant 0 : i32
      %dma_wait3A_77 = arith.constant 0 : i32
      %dma_wait3A_78 = tpu.memref_slice %arg9[%dma_wait3A, %dma_wait3A_77] : memref<128x128xf32, #tpu.memory_space<vmem>> -> memref<128x128xf32, #tpu.memory_space<vmem>>
      %dma_wait3A_79 = arith.constant 0 : i32
      %dma_wait3A_80 = tpu.memref_slice %arg7[%add3A_10, %dma_wait3A_79] : memref<10112x128xf32, #tpu.memory_space<vmem_shared>> -> memref<128x128xf32, #tpu.memory_space<vmem_shared>>
      %dma_wait3A_81 = arith.constant 0 : i32
      %dma_wait3A_82 = tpu.memref_slice %arg7[%add3A_10, %dma_wait3A_81] : memref<10112x128xf32, #tpu.memory_space<vmem_shared>> -> memref<128x128xf32, #tpu.memory_space<vmem_shared>>
      %dma_wait3A_83 = arith.constant 0 : i32
      %dma_wait3A_84 = arith.constant 0 : i32
      %dma_wait3A_85 = tpu.memref_slice %arg9[%dma_wait3A_83, %dma_wait3A_84] : memref<128x128xf32, #tpu.memory_space<vmem>> -> memref<128x128xf32, #tpu.memory_space<vmem>>
      tpu.wait_dma2 semaphore(%run_scoped3A : memref<!tpu.dma_semaphore, #tpu.memory_space<semaphore_mem>>) src(%dma_wait3A_85 : memref<128x128xf32, #tpu.memory_space<vmem>>) dst(%dma_wait3A_82 : memref<128x128xf32, #tpu.memory_space<vmem_shared>>)
      tpu.yield
    }) : () -> ()
    %add3A_11 = arith.constant 512 : i32
    %add3A_12 = arith.addi %mul3A_2, %add3A_11 : i32
    "tpu.region"() ({
      %run_scoped3A = tpu.sem_alloc : memref<!tpu.dma_semaphore, #tpu.memory_space<semaphore_mem>>
      %dma_start3A = arith.constant 0 : i32
      %dma_start3A_68 = arith.constant 0 : i32
      %dma_start3A_69 = tpu.memref_slice %arg9[%dma_start3A, %dma_start3A_68] : memref<128x128xf32, #tpu.memory_space<vmem>> -> memref<120x128xf32, #tpu.memory_space<vmem>>
      %dma_start3A_70 = arith.constant 0 : i32
      %dma_start3A_71 = tpu.memref_slice %arg7[%add3A_12, %dma_start3A_70] : memref<10112x128xf32, #tpu.memory_space<vmem_shared>> -> memref<120x128xf32, #tpu.memory_space<vmem_shared>>
      %dma_start3A_72 = arith.constant 0 : i32
      %dma_start3A_73 = tpu.memref_slice %arg7[%add3A_12, %dma_start3A_72] : memref<10112x128xf32, #tpu.memory_space<vmem_shared>> -> memref<120x128xf32, #tpu.memory_space<vmem_shared>>
      %dma_start3A_74 = arith.constant 0 : i32
      %dma_start3A_75 = arith.constant 0 : i32
      %dma_start3A_76 = tpu.memref_slice %arg9[%dma_start3A_74, %dma_start3A_75] : memref<128x128xf32, #tpu.memory_space<vmem>> -> memref<120x128xf32, #tpu.memory_space<vmem>>
      tpu.enqueue_dma source(%dma_start3A_76 : memref<120x128xf32, #tpu.memory_space<vmem>>) target(%dma_start3A_73 : memref<120x128xf32, #tpu.memory_space<vmem_shared>>) target_semaphore(%run_scoped3A : memref<!tpu.dma_semaphore, #tpu.memory_space<semaphore_mem>>)
      %dma_wait3A = arith.constant 0 : i32
      %dma_wait3A_77 = arith.constant 0 : i32
      %dma_wait3A_78 = tpu.memref_slice %arg9[%dma_wait3A, %dma_wait3A_77] : memref<128x128xf32, #tpu.memory_space<vmem>> -> memref<120x128xf32, #tpu.memory_space<vmem>>
      %dma_wait3A_79 = arith.constant 0 : i32
      %dma_wait3A_80 = tpu.memref_slice %arg7[%add3A_12, %dma_wait3A_79] : memref<10112x128xf32, #tpu.memory_space<vmem_shared>> -> memref<120x128xf32, #tpu.memory_space<vmem_shared>>
      %dma_wait3A_81 = arith.constant 0 : i32
      %dma_wait3A_82 = tpu.memref_slice %arg7[%add3A_12, %dma_wait3A_81] : memref<10112x128xf32, #tpu.memory_space<vmem_shared>> -> memref<120x128xf32, #tpu.memory_space<vmem_shared>>
      %dma_wait3A_83 = arith.constant 0 : i32
      %dma_wait3A_84 = arith.constant 0 : i32
      %dma_wait3A_85 = tpu.memref_slice %arg9[%dma_wait3A_83, %dma_wait3A_84] : memref<128x128xf32, #tpu.memory_space<vmem>> -> memref<120x128xf32, #tpu.memory_space<vmem>>
      tpu.wait_dma2 semaphore(%run_scoped3A : memref<!tpu.dma_semaphore, #tpu.memory_space<semaphore_mem>>) src(%dma_wait3A_85 : memref<120x128xf32, #tpu.memory_space<vmem>>) dst(%dma_wait3A_82 : memref<120x128xf32, #tpu.memory_space<vmem_shared>>)
      tpu.yield
    }) : () -> ()
    %broadcast_in_dim3A = arith.constant 0.000000e+00 : f32
    %broadcast_in_dim3A_13 = vector.broadcast %broadcast_in_dim3A : f32 to vector<16xf32>
    %scan3A = arith.constant 0 : i32
    %scan3A_14 = arith.constant 632 : i32
    %scan3A_15 = arith.addi %scan3A, %scan3A_14 : i32
    %scan3A_16 = arith.constant 1 : i32
    scf.for %scan3A_68 = %scan3A to %scan3A_15 step %scan3A_16  : i32 {
      %mul3A_69 = arith.constant 1 : i32
      %mul3A_70 = arith.muli %scan3A_68, %mul3A_69 : i32
      %add3A_71 = arith.constant 0 : i32
      %add3A_72 = arith.addi %add3A_71, %mul3A_70 : i32
      %mul3A_73 = arith.constant 16 : i32
      %mul3A_74 = arith.muli %add3A_72, %mul3A_73 : i32
      %swap3A = arith.index_cast %mul3A_74 : i32 to index
      %swap3A_75 = tpu.vector_load %arg10[%swap3A] {strides = array<i32>} : memref<10112xf32, #tpu.memory_space<vmem>>, vector<16xf32>,
      tpu.vector_store %arg10[%swap3A], %broadcast_in_dim3A_13 {strides = array<i32>} : memref<10112xf32, #tpu.memory_space<vmem>>, vector<16xf32>,
    }
    %scan3A_17 = arith.constant 632 : i32
    %barrier3A = arith.constant 0 : index
    tpu.barrier barrier_id(%barrier3A)
    %eq3A = arith.constant 0 : i32
    %eq3A_18 = arith.cmpi eq, %arg0, %eq3A : i32
    %jit3A = arith.constant 88 : i32
    %jit3A_19 = arith.constant 69 : i32
    %select_n3A = arith.select %eq3A_18, %jit3A, %jit3A_19 : i32
    %eq3A_20 = arith.constant 0 : i32
    %eq3A_21 = arith.cmpi eq, %arg0, %eq3A_20 : i32
    %mul3A_22 = arith.constant 88 : i32
    %mul3A_23 = arith.muli %arg1, %mul3A_22 : i32
    %mul3A_24 = arith.constant 69 : i32
    %mul3A_25 = arith.muli %arg1, %mul3A_24 : i32
    %add3A_26 = arith.constant 1408 : i32
    %add3A_27 = arith.addi %add3A_26, %mul3A_25 : i32
    %select_n3A_28 = arith.select %eq3A_21, %mul3A_23, %add3A_27 : i32
    %broadcast_in_dim3A_29 = arith.constant 1.000000e+00 : f32
    %broadcast_in_dim3A_30 = vector.broadcast %broadcast_in_dim3A_29 : f32 to vector<16xf32>
    "tpu.region"() ({
      %run_scoped3A = tpu.sem_alloc : memref<!tpu.dma_semaphore, #tpu.memory_space<semaphore_mem>>
      %dma_start3A = arith.constant 0 : i32
      %dma_start3A_68 = arith.constant 0 : i32
      %dma_start3A_69 = tpu.memref_slice %arg3[%select_n3A_28, %dma_start3A, %dma_start3A_68] : memref<2531x2x128xi32, #tpu.memory_space<hbm>> -> memref<88x2x128xi32, #tpu.memory_space<hbm>>
      %dma_start3A_70 = arith.constant 0 : i32
      %dma_start3A_71 = arith.constant 0 : i32
      %dma_start3A_72 = tpu.memref_slice %arg3[%select_n3A_28, %dma_start3A_70, %dma_start3A_71] : memref<2531x2x128xi32, #tpu.memory_space<hbm>> -> memref<88x2x128xi32, #tpu.memory_space<hbm>>
      tpu.enqueue_dma source(%dma_start3A_72 : memref<88x2x128xi32, #tpu.memory_space<hbm>>) target(%arg8 : memref<88x2x128xi32, #tpu.memory_space<vmem>>) target_semaphore(%run_scoped3A : memref<!tpu.dma_semaphore, #tpu.memory_space<semaphore_mem>>)
      %dma_wait3A = arith.constant 0 : i32
      %dma_wait3A_73 = arith.constant 0 : i32
      %dma_wait3A_74 = tpu.memref_slice %arg3[%select_n3A_28, %dma_wait3A, %dma_wait3A_73] : memref<2531x2x128xi32, #tpu.memory_space<hbm>> -> memref<88x2x128xi32, #tpu.memory_space<hbm>>
      %dma_wait3A_75 = arith.constant 0 : i32
      %dma_wait3A_76 = arith.constant 0 : i32
      %dma_wait3A_77 = tpu.memref_slice %arg3[%select_n3A_28, %dma_wait3A_75, %dma_wait3A_76] : memref<2531x2x128xi32, #tpu.memory_space<hbm>> -> memref<88x2x128xi32, #tpu.memory_space<hbm>>
      tpu.wait_dma2 semaphore(%run_scoped3A : memref<!tpu.dma_semaphore, #tpu.memory_space<semaphore_mem>>) src(%dma_wait3A_77 : memref<88x2x128xi32, #tpu.memory_space<hbm>>) dst(%arg8 : memref<88x2x128xi32, #tpu.memory_space<vmem>>)
      tpu.yield
    }) : () -> ()
    %sub3A = arith.constant 0 : i32
    %sub3A_31 = arith.subi %select_n3A, %sub3A : i32
    %sub3A_32 = arith.constant 1 : i32
    %sub3A_33 = arith.constant 1 : i32
    %sub3A_34 = arith.subi %sub3A_32, %sub3A_33 : i32
    %add3A_35 = arith.addi %sub3A_31, %sub3A_34 : i32
    %div3A = arith.constant 1 : i32
    %div3A_36 = arith.divsi %add3A_35, %div3A : i32
    %while3A = arith.constant 1 : i32
    %while3A_37 = arith.constant 0 : i32
    %while3A_38 = arith.constant 0 : i32
    %while3A_39 = arith.subi %div3A_36, %while3A_38 : i32
    %while3A_40 = arith.addi %while3A_38, %while3A_39 : i32
    %while3A_41 = arith.constant 1 : i32
    %while3A_42 = arith.divsi %while3A_39, %while3A_41 : i32
    %while3A_43 = arith.muli %while3A_42, %while3A_41 : i32
    %while3A_44 = arith.addi %while3A_38, %while3A_43 : i32
    %while3A_45 = arith.constant 1 : i32
    scf.for %while3A_68 = %while3A_38 to %while3A_44 step %while3A_45  : i32 {
      %mul3A_69 = arith.muli %while3A_68, %while3A : i32
      %add3A_70 = arith.addi %while3A_37, %mul3A_69 : i32
      %run_scoped3A = arith.constant 0 : i32
      "tpu.region"() ({
        %run_scoped3A_111 = tpu.sem_alloc : memref<!tpu.dma_semaphore, #tpu.memory_space<semaphore_mem>>
        %dma_start3A = arith.constant 0 : i32
        %dma_start3A_112 = tpu.memref_slice %arg8[%add3A_70, %run_scoped3A, %dma_start3A] : memref<88x2x128xi32, #tpu.memory_space<vmem>> -> memref<1x1x128xi32, #tpu.memory_space<vmem>>
        %dma_start3A_113 = tpu.memref_squeeze %dma_start3A_112 : memref<1x1x128xi32, #tpu.memory_space<vmem>> -> memref<128xi32, #tpu.memory_space<vmem>>
        %dma_start3A_114 = arith.constant 0 : i32
        %dma_start3A_115 = arith.constant 0 : i32
        %dma_start3A_116 = tpu.memref_slice %arg2[%dma_start3A_114, %dma_start3A_115] : memref<10000x128xf32, #tpu.memory_space<hbm>> -> memref<10000x128xf32, #tpu.memory_space<hbm>>
        tpu.enqueue_indirect_dma source(%dma_start3A_116 : memref<10000x128xf32, #tpu.memory_space<hbm>>) target(%arg9 : memref<128x128xf32, #tpu.memory_space<vmem>>) offsets(%dma_start3A_113 : memref<128xi32, #tpu.memory_space<vmem>>) semaphore(%run_scoped3A_111 : memref<!tpu.dma_semaphore, #tpu.memory_space<semaphore_mem>>)
        %dma_wait3A = arith.constant 0 : i32
        %dma_wait3A_117 = tpu.memref_slice %arg8[%add3A_70, %run_scoped3A, %dma_wait3A] : memref<88x2x128xi32, #tpu.memory_space<vmem>> -> memref<1x1x128xi32, #tpu.memory_space<vmem>>
        %dma_wait3A_118 = tpu.memref_squeeze %dma_wait3A_117 : memref<1x1x128xi32, #tpu.memory_space<vmem>> -> memref<128xi32, #tpu.memory_space<vmem>>
        %dma_wait3A_119 = arith.constant 0 : i32
        %dma_wait3A_120 = arith.constant 0 : i32
        %dma_wait3A_121 = tpu.memref_slice %arg2[%dma_wait3A_119, %dma_wait3A_120] : memref<10000x128xf32, #tpu.memory_space<hbm>> -> memref<10000x128xf32, #tpu.memory_space<hbm>>
        tpu.wait_indirect_dma semaphore(%run_scoped3A_111 : memref<!tpu.dma_semaphore, #tpu.memory_space<semaphore_mem>>) src(%dma_wait3A_121 : memref<10000x128xf32, #tpu.memory_space<hbm>>) dst(%arg9 : memref<128x128xf32, #tpu.memory_space<vmem>>)
        tpu.yield
      }) : () -> ()
      %run_scoped3A_71 = arith.constant 1 : i32
      "tpu.region"() ({
        %run_scoped3A_111 = tpu.sem_alloc : memref<!tpu.dma_semaphore, #tpu.memory_space<semaphore_mem>>
        %dma_start3A = arith.constant 0 : i32
        %dma_start3A_112 = tpu.memref_slice %arg8[%add3A_70, %run_scoped3A_71, %dma_start3A] : memref<88x2x128xi32, #tpu.memory_space<vmem>> -> memref<1x1x128xi32, #tpu.memory_space<vmem>>
        %dma_start3A_113 = tpu.memref_squeeze %dma_start3A_112 : memref<1x1x128xi32, #tpu.memory_space<vmem>> -> memref<128xi32, #tpu.memory_space<vmem>>
        %dma_start3A_114 = arith.constant 0 : i32
        %dma_start3A_115 = arith.constant 0 : i32
        %dma_start3A_116 = tpu.memref_slice %arg7[%dma_start3A_114, %dma_start3A_115] : memref<10112x128xf32, #tpu.memory_space<vmem_shared>> -> memref<10112x128xf32, #tpu.memory_space<vmem_shared>>
        tpu.enqueue_indirect_dma source(%arg9 : memref<128x128xf32, #tpu.memory_space<vmem>>) target(%dma_start3A_116 : memref<10112x128xf32, #tpu.memory_space<vmem_shared>>) offsets(%dma_start3A_113 : memref<128xi32, #tpu.memory_space<vmem>>) semaphore(%run_scoped3A_111 : memref<!tpu.dma_semaphore, #tpu.memory_space<semaphore_mem>>) {add = true}
        %dma_wait3A = arith.constant 0 : i32
        %dma_wait3A_117 = tpu.memref_slice %arg8[%add3A_70, %run_scoped3A_71, %dma_wait3A] : memref<88x2x128xi32, #tpu.memory_space<vmem>> -> memref<1x1x128xi32, #tpu.memory_space<vmem>>
        %dma_wait3A_118 = tpu.memref_squeeze %dma_wait3A_117 : memref<1x1x128xi32, #tpu.memory_space<vmem>> -> memref<128xi32, #tpu.memory_space<vmem>>
        %dma_wait3A_119 = arith.constant 0 : i32
        %dma_wait3A_120 = arith.constant 0 : i32
        %dma_wait3A_121 = tpu.memref_slice %arg7[%dma_wait3A_119, %dma_wait3A_120] : memref<10112x128xf32, #tpu.memory_space<vmem_shared>> -> memref<10112x128xf32, #tpu.memory_space<vmem_shared>>
        tpu.wait_indirect_dma semaphore(%run_scoped3A_111 : memref<!tpu.dma_semaphore, #tpu.memory_space<semaphore_mem>>) src(%arg9 : memref<128x128xf32, #tpu.memory_space<vmem>>) dst(%dma_wait3A_121 : memref<10112x128xf32, #tpu.memory_space<vmem_shared>>)
        tpu.yield
      }) : () -> ()
      %get3A = arith.constant 1 : i32
      %get3A_72 = arith.index_cast %add3A_70 : i32 to index
      %get3A_73 = arith.index_cast %get3A : i32 to index
      %get3A_74 = arith.constant 0 : index
      %get3A_75 = tpu.vector_load %arg8[%get3A_72, %get3A_73, %get3A_74] {strides = array<i32>} : memref<88x2x128xi32, #tpu.memory_space<vmem>>, vector<16xi32>,
      tpu.vector_store_idx %arg10[%get3A_75], %broadcast_in_dim3A_30 {add = true} : memref<10112xf32, #tpu.memory_space<vmem>>[vector<16xi32>], vector<16xf32>,
      %get3A_76 = arith.constant 1 : i32
      %get3A_77 = arith.index_cast %add3A_70 : i32 to index
      %get3A_78 = arith.index_cast %get3A_76 : i32 to index
      %get3A_79 = arith.constant 16 : index
      %get3A_80 = tpu.vector_load %arg8[%get3A_77, %get3A_78, %get3A_79] {strides = array<i32>} : memref<88x2x128xi32, #tpu.memory_space<vmem>>, vector<16xi32>,
      tpu.vector_store_idx %arg10[%get3A_80], %broadcast_in_dim3A_30 {add = true} : memref<10112xf32, #tpu.memory_space<vmem>>[vector<16xi32>], vector<16xf32>,
      %get3A_81 = arith.constant 1 : i32
      %get3A_82 = arith.index_cast %add3A_70 : i32 to index
      %get3A_83 = arith.index_cast %get3A_81 : i32 to index
      %get3A_84 = arith.constant 32 : index
      %get3A_85 = tpu.vector_load %arg8[%get3A_82, %get3A_83, %get3A_84] {strides = array<i32>} : memref<88x2x128xi32, #tpu.memory_space<vmem>>, vector<16xi32>,
      tpu.vector_store_idx %arg10[%get3A_85], %broadcast_in_dim3A_30 {add = true} : memref<10112xf32, #tpu.memory_space<vmem>>[vector<16xi32>], vector<16xf32>,
      %get3A_86 = arith.constant 1 : i32
      %get3A_87 = arith.index_cast %add3A_70 : i32 to index
      %get3A_88 = arith.index_cast %get3A_86 : i32 to index
      %get3A_89 = arith.constant 48 : index
      %get3A_90 = tpu.vector_load %arg8[%get3A_87, %get3A_88, %get3A_89] {strides = array<i32>} : memref<88x2x128xi32, #tpu.memory_space<vmem>>, vector<16xi32>,
      tpu.vector_store_idx %arg10[%get3A_90], %broadcast_in_dim3A_30 {add = true} : memref<10112xf32, #tpu.memory_space<vmem>>[vector<16xi32>], vector<16xf32>,
      %get3A_91 = arith.constant 1 : i32
      %get3A_92 = arith.index_cast %add3A_70 : i32 to index
      %get3A_93 = arith.index_cast %get3A_91 : i32 to index
      %get3A_94 = arith.constant 64 : index
      %get3A_95 = tpu.vector_load %arg8[%get3A_92, %get3A_93, %get3A_94] {strides = array<i32>} : memref<88x2x128xi32, #tpu.memory_space<vmem>>, vector<16xi32>,
      tpu.vector_store_idx %arg10[%get3A_95], %broadcast_in_dim3A_30 {add = true} : memref<10112xf32, #tpu.memory_space<vmem>>[vector<16xi32>], vector<16xf32>,
      %get3A_96 = arith.constant 1 : i32
      %get3A_97 = arith.index_cast %add3A_70 : i32 to index
      %get3A_98 = arith.index_cast %get3A_96 : i32 to index
      %get3A_99 = arith.constant 80 : index
      %get3A_100 = tpu.vector_load %arg8[%get3A_97, %get3A_98, %get3A_99] {strides = array<i32>} : memref<88x2x128xi32, #tpu.memory_space<vmem>>, vector<16xi32>,
      tpu.vector_store_idx %arg10[%get3A_100], %broadcast_in_dim3A_30 {add = true} : memref<10112xf32, #tpu.memory_space<vmem>>[vector<16xi32>], vector<16xf32>,
      %get3A_101 = arith.constant 1 : i32
      %get3A_102 = arith.index_cast %add3A_70 : i32 to index
      %get3A_103 = arith.index_cast %get3A_101 : i32 to index
      %get3A_104 = arith.constant 96 : index
      %get3A_105 = tpu.vector_load %arg8[%get3A_102, %get3A_103, %get3A_104] {strides = array<i32>} : memref<88x2x128xi32, #tpu.memory_space<vmem>>, vector<16xi32>,
      tpu.vector_store_idx %arg10[%get3A_105], %broadcast_in_dim3A_30 {add = true} : memref<10112xf32, #tpu.memory_space<vmem>>[vector<16xi32>], vector<16xf32>,
      %get3A_106 = arith.constant 1 : i32
      %get3A_107 = arith.index_cast %add3A_70 : i32 to index
      %get3A_108 = arith.index_cast %get3A_106 : i32 to index
      %get3A_109 = arith.constant 112 : index
      %get3A_110 = tpu.vector_load %arg8[%get3A_107, %get3A_108, %get3A_109] {strides = array<i32>} : memref<88x2x128xi32, #tpu.memory_space<vmem>>, vector<16xi32>,
      tpu.vector_store_idx %arg10[%get3A_110], %broadcast_in_dim3A_30 {add = true} : memref<10112xf32, #tpu.memory_space<vmem>>[vector<16xi32>], vector<16xf32>,
    }
    %while3A_46 = arith.constant 1 : i32
    scf.for %while3A_68 = %while3A_44 to %while3A_40 step %while3A_46  : i32 {
      %mul3A_69 = arith.muli %while3A_68, %while3A : i32
      %add3A_70 = arith.addi %while3A_37, %mul3A_69 : i32
      %run_scoped3A = arith.constant 0 : i32
      "tpu.region"() ({
        %run_scoped3A_111 = tpu.sem_alloc : memref<!tpu.dma_semaphore, #tpu.memory_space<semaphore_mem>>
        %dma_start3A = arith.constant 0 : i32
        %dma_start3A_112 = tpu.memref_slice %arg8[%add3A_70, %run_scoped3A, %dma_start3A] : memref<88x2x128xi32, #tpu.memory_space<vmem>> -> memref<1x1x128xi32, #tpu.memory_space<vmem>>
        %dma_start3A_113 = tpu.memref_squeeze %dma_start3A_112 : memref<1x1x128xi32, #tpu.memory_space<vmem>> -> memref<128xi32, #tpu.memory_space<vmem>>
        %dma_start3A_114 = arith.constant 0 : i32
        %dma_start3A_115 = arith.constant 0 : i32
        %dma_start3A_116 = tpu.memref_slice %arg2[%dma_start3A_114, %dma_start3A_115] : memref<10000x128xf32, #tpu.memory_space<hbm>> -> memref<10000x128xf32, #tpu.memory_space<hbm>>
        tpu.enqueue_indirect_dma source(%dma_start3A_116 : memref<10000x128xf32, #tpu.memory_space<hbm>>) target(%arg9 : memref<128x128xf32, #tpu.memory_space<vmem>>) offsets(%dma_start3A_113 : memref<128xi32, #tpu.memory_space<vmem>>) semaphore(%run_scoped3A_111 : memref<!tpu.dma_semaphore, #tpu.memory_space<semaphore_mem>>)
        %dma_wait3A = arith.constant 0 : i32
        %dma_wait3A_117 = tpu.memref_slice %arg8[%add3A_70, %run_scoped3A, %dma_wait3A] : memref<88x2x128xi32, #tpu.memory_space<vmem>> -> memref<1x1x128xi32, #tpu.memory_space<vmem>>
        %dma_wait3A_118 = tpu.memref_squeeze %dma_wait3A_117 : memref<1x1x128xi32, #tpu.memory_space<vmem>> -> memref<128xi32, #tpu.memory_space<vmem>>
        %dma_wait3A_119 = arith.constant 0 : i32
        %dma_wait3A_120 = arith.constant 0 : i32
        %dma_wait3A_121 = tpu.memref_slice %arg2[%dma_wait3A_119, %dma_wait3A_120] : memref<10000x128xf32, #tpu.memory_space<hbm>> -> memref<10000x128xf32, #tpu.memory_space<hbm>>
        tpu.wait_indirect_dma semaphore(%run_scoped3A_111 : memref<!tpu.dma_semaphore, #tpu.memory_space<semaphore_mem>>) src(%dma_wait3A_121 : memref<10000x128xf32, #tpu.memory_space<hbm>>) dst(%arg9 : memref<128x128xf32, #tpu.memory_space<vmem>>)
        tpu.yield
      }) : () -> ()
      %run_scoped3A_71 = arith.constant 1 : i32
      "tpu.region"() ({
        %run_scoped3A_111 = tpu.sem_alloc : memref<!tpu.dma_semaphore, #tpu.memory_space<semaphore_mem>>
        %dma_start3A = arith.constant 0 : i32
        %dma_start3A_112 = tpu.memref_slice %arg8[%add3A_70, %run_scoped3A_71, %dma_start3A] : memref<88x2x128xi32, #tpu.memory_space<vmem>> -> memref<1x1x128xi32, #tpu.memory_space<vmem>>
        %dma_start3A_113 = tpu.memref_squeeze %dma_start3A_112 : memref<1x1x128xi32, #tpu.memory_space<vmem>> -> memref<128xi32, #tpu.memory_space<vmem>>
        %dma_start3A_114 = arith.constant 0 : i32
        %dma_start3A_115 = arith.constant 0 : i32
        %dma_start3A_116 = tpu.memref_slice %arg7[%dma_start3A_114, %dma_start3A_115] : memref<10112x128xf32, #tpu.memory_space<vmem_shared>> -> memref<10112x128xf32, #tpu.memory_space<vmem_shared>>
        tpu.enqueue_indirect_dma source(%arg9 : memref<128x128xf32, #tpu.memory_space<vmem>>) target(%dma_start3A_116 : memref<10112x128xf32, #tpu.memory_space<vmem_shared>>) offsets(%dma_start3A_113 : memref<128xi32, #tpu.memory_space<vmem>>) semaphore(%run_scoped3A_111 : memref<!tpu.dma_semaphore, #tpu.memory_space<semaphore_mem>>) {add = true}
        %dma_wait3A = arith.constant 0 : i32
        %dma_wait3A_117 = tpu.memref_slice %arg8[%add3A_70, %run_scoped3A_71, %dma_wait3A] : memref<88x2x128xi32, #tpu.memory_space<vmem>> -> memref<1x1x128xi32, #tpu.memory_space<vmem>>
        %dma_wait3A_118 = tpu.memref_squeeze %dma_wait3A_117 : memref<1x1x128xi32, #tpu.memory_space<vmem>> -> memref<128xi32, #tpu.memory_space<vmem>>
        %dma_wait3A_119 = arith.constant 0 : i32
        %dma_wait3A_120 = arith.constant 0 : i32
        %dma_wait3A_121 = tpu.memref_slice %arg7[%dma_wait3A_119, %dma_wait3A_120] : memref<10112x128xf32, #tpu.memory_space<vmem_shared>> -> memref<10112x128xf32, #tpu.memory_space<vmem_shared>>
        tpu.wait_indirect_dma semaphore(%run_scoped3A_111 : memref<!tpu.dma_semaphore, #tpu.memory_space<semaphore_mem>>) src(%arg9 : memref<128x128xf32, #tpu.memory_space<vmem>>) dst(%dma_wait3A_121 : memref<10112x128xf32, #tpu.memory_space<vmem_shared>>)
        tpu.yield
      }) : () -> ()
      %get3A = arith.constant 1 : i32
      %get3A_72 = arith.index_cast %add3A_70 : i32 to index
      %get3A_73 = arith.index_cast %get3A : i32 to index
      %get3A_74 = arith.constant 0 : index
      %get3A_75 = tpu.vector_load %arg8[%get3A_72, %get3A_73, %get3A_74] {strides = array<i32>} : memref<88x2x128xi32, #tpu.memory_space<vmem>>, vector<16xi32>,
      tpu.vector_store_idx %arg10[%get3A_75], %broadcast_in_dim3A_30 {add = true} : memref<10112xf32, #tpu.memory_space<vmem>>[vector<16xi32>], vector<16xf32>,
      %get3A_76 = arith.constant 1 : i32
      %get3A_77 = arith.index_cast %add3A_70 : i32 to index
      %get3A_78 = arith.index_cast %get3A_76 : i32 to index
      %get3A_79 = arith.constant 16 : index
      %get3A_80 = tpu.vector_load %arg8[%get3A_77, %get3A_78, %get3A_79] {strides = array<i32>} : memref<88x2x128xi32, #tpu.memory_space<vmem>>, vector<16xi32>,
      tpu.vector_store_idx %arg10[%get3A_80], %broadcast_in_dim3A_30 {add = true} : memref<10112xf32, #tpu.memory_space<vmem>>[vector<16xi32>], vector<16xf32>,
      %get3A_81 = arith.constant 1 : i32
      %get3A_82 = arith.index_cast %add3A_70 : i32 to index
      %get3A_83 = arith.index_cast %get3A_81 : i32 to index
      %get3A_84 = arith.constant 32 : index
      %get3A_85 = tpu.vector_load %arg8[%get3A_82, %get3A_83, %get3A_84] {strides = array<i32>} : memref<88x2x128xi32, #tpu.memory_space<vmem>>, vector<16xi32>,
      tpu.vector_store_idx %arg10[%get3A_85], %broadcast_in_dim3A_30 {add = true} : memref<10112xf32, #tpu.memory_space<vmem>>[vector<16xi32>], vector<16xf32>,
      %get3A_86 = arith.constant 1 : i32
      %get3A_87 = arith.index_cast %add3A_70 : i32 to index
      %get3A_88 = arith.index_cast %get3A_86 : i32 to index
      %get3A_89 = arith.constant 48 : index
      %get3A_90 = tpu.vector_load %arg8[%get3A_87, %get3A_88, %get3A_89] {strides = array<i32>} : memref<88x2x128xi32, #tpu.memory_space<vmem>>, vector<16xi32>,
      tpu.vector_store_idx %arg10[%get3A_90], %broadcast_in_dim3A_30 {add = true} : memref<10112xf32, #tpu.memory_space<vmem>>[vector<16xi32>], vector<16xf32>,
      %get3A_91 = arith.constant 1 : i32
      %get3A_92 = arith.index_cast %add3A_70 : i32 to index
      %get3A_93 = arith.index_cast %get3A_91 : i32 to index
      %get3A_94 = arith.constant 64 : index
      %get3A_95 = tpu.vector_load %arg8[%get3A_92, %get3A_93, %get3A_94] {strides = array<i32>} : memref<88x2x128xi32, #tpu.memory_space<vmem>>, vector<16xi32>,
      tpu.vector_store_idx %arg10[%get3A_95], %broadcast_in_dim3A_30 {add = true} : memref<10112xf32, #tpu.memory_space<vmem>>[vector<16xi32>], vector<16xf32>,
      %get3A_96 = arith.constant 1 : i32
      %get3A_97 = arith.index_cast %add3A_70 : i32 to index
      %get3A_98 = arith.index_cast %get3A_96 : i32 to index
      %get3A_99 = arith.constant 80 : index
      %get3A_100 = tpu.vector_load %arg8[%get3A_97, %get3A_98, %get3A_99] {strides = array<i32>} : memref<88x2x128xi32, #tpu.memory_space<vmem>>, vector<16xi32>,
      tpu.vector_store_idx %arg10[%get3A_100], %broadcast_in_dim3A_30 {add = true} : memref<10112xf32, #tpu.memory_space<vmem>>[vector<16xi32>], vector<16xf32>,
      %get3A_101 = arith.constant 1 : i32
      %get3A_102 = arith.index_cast %add3A_70 : i32 to index
      %get3A_103 = arith.index_cast %get3A_101 : i32 to index
      %get3A_104 = arith.constant 96 : index
      %get3A_105 = tpu.vector_load %arg8[%get3A_102, %get3A_103, %get3A_104] {strides = array<i32>} : memref<88x2x128xi32, #tpu.memory_space<vmem>>, vector<16xi32>,
      tpu.vector_store_idx %arg10[%get3A_105], %broadcast_in_dim3A_30 {add = true} : memref<10112xf32, #tpu.memory_space<vmem>>[vector<16xi32>], vector<16xf32>,
      %get3A_106 = arith.constant 1 : i32
      %get3A_107 = arith.index_cast %add3A_70 : i32 to index
      %get3A_108 = arith.index_cast %get3A_106 : i32 to index
      %get3A_109 = arith.constant 112 : index
      %get3A_110 = tpu.vector_load %arg8[%get3A_107, %get3A_108, %get3A_109] {strides = array<i32>} : memref<88x2x128xi32, #tpu.memory_space<vmem>>, vector<16xi32>,
      tpu.vector_store_idx %arg10[%get3A_110], %broadcast_in_dim3A_30 {add = true} : memref<10112xf32, #tpu.memory_space<vmem>>[vector<16xi32>], vector<16xf32>,
    }
    %barrier3A_47 = arith.constant 0 : index
    tpu.barrier barrier_id(%barrier3A_47)
    %add3A_48 = arith.constant 0 : i32
    %add3A_49 = arith.addi %mul3A_2, %add3A_48 : i32
    "tpu.region"() ({
      %run_scoped3A = tpu.sem_alloc : memref<!tpu.dma_semaphore, #tpu.memory_space<semaphore_mem>>
      %dma_start3A = arith.constant 0 : i32
      %dma_start3A_68 = arith.constant 0 : i32
      %dma_start3A_69 = tpu.memref_slice %arg9[%dma_start3A, %dma_start3A_68] : memref<128x128xf32, #tpu.memory_space<vmem>> -> memref<128x128xf32, #tpu.memory_space<vmem>>
      %dma_start3A_70 = arith.constant 0 : i32
      %dma_start3A_71 = tpu.memref_slice %arg7[%add3A_49, %dma_start3A_70] : memref<10112x128xf32, #tpu.memory_space<vmem_shared>> -> memref<128x128xf32, #tpu.memory_space<vmem_shared>>
      %dma_start3A_72 = arith.constant 0 : i32
      %dma_start3A_73 = arith.constant 0 : i32
      %dma_start3A_74 = tpu.memref_slice %arg9[%dma_start3A_72, %dma_start3A_73] : memref<128x128xf32, #tpu.memory_space<vmem>> -> memref<128x128xf32, #tpu.memory_space<vmem>>
      %dma_start3A_75 = arith.constant 0 : i32
      %dma_start3A_76 = tpu.memref_slice %arg7[%add3A_49, %dma_start3A_75] : memref<10112x128xf32, #tpu.memory_space<vmem_shared>> -> memref<128x128xf32, #tpu.memory_space<vmem_shared>>
      tpu.enqueue_dma source(%dma_start3A_76 : memref<128x128xf32, #tpu.memory_space<vmem_shared>>) target(%dma_start3A_74 : memref<128x128xf32, #tpu.memory_space<vmem>>) target_semaphore(%run_scoped3A : memref<!tpu.dma_semaphore, #tpu.memory_space<semaphore_mem>>)
      %dma_wait3A = arith.constant 0 : i32
      %dma_wait3A_77 = arith.constant 0 : i32
      %dma_wait3A_78 = tpu.memref_slice %arg9[%dma_wait3A, %dma_wait3A_77] : memref<128x128xf32, #tpu.memory_space<vmem>> -> memref<128x128xf32, #tpu.memory_space<vmem>>
      %dma_wait3A_79 = arith.constant 0 : i32
      %dma_wait3A_80 = tpu.memref_slice %arg7[%add3A_49, %dma_wait3A_79] : memref<10112x128xf32, #tpu.memory_space<vmem_shared>> -> memref<128x128xf32, #tpu.memory_space<vmem_shared>>
      %dma_wait3A_81 = arith.constant 0 : i32
      %dma_wait3A_82 = arith.constant 0 : i32
      %dma_wait3A_83 = tpu.memref_slice %arg9[%dma_wait3A_81, %dma_wait3A_82] : memref<128x128xf32, #tpu.memory_space<vmem>> -> memref<128x128xf32, #tpu.memory_space<vmem>>
      %dma_wait3A_84 = arith.constant 0 : i32
      %dma_wait3A_85 = tpu.memref_slice %arg7[%add3A_49, %dma_wait3A_84] : memref<10112x128xf32, #tpu.memory_space<vmem_shared>> -> memref<128x128xf32, #tpu.memory_space<vmem_shared>>
      tpu.wait_dma2 semaphore(%run_scoped3A : memref<!tpu.dma_semaphore, #tpu.memory_space<semaphore_mem>>) src(%dma_wait3A_85 : memref<128x128xf32, #tpu.memory_space<vmem_shared>>) dst(%dma_wait3A_83 : memref<128x128xf32, #tpu.memory_space<vmem>>)
      tpu.yield
    }) : () -> ()
    %add3A_50 = arith.constant 0 : i32
    %add3A_51 = arith.addi %mul3A_2, %add3A_50 : i32
    "tpu.region"() ({
      %run_scoped3A = tpu.sem_alloc : memref<!tpu.dma_semaphore, #tpu.memory_space<semaphore_mem>>
      %dma_start3A = arith.constant 0 : i32
      %dma_start3A_68 = arith.constant 0 : i32
      %dma_start3A_69 = tpu.memref_slice %arg9[%dma_start3A, %dma_start3A_68] : memref<128x128xf32, #tpu.memory_space<vmem>> -> memref<128x128xf32, #tpu.memory_space<vmem>>
      %dma_start3A_70 = arith.constant 0 : i32
      %dma_start3A_71 = tpu.memref_slice %arg5[%arg0, %add3A_51, %dma_start3A_70] : memref<2x10112x128xf32, #tpu.memory_space<hbm>> -> memref<1x128x128xf32, #tpu.memory_space<hbm>>
      %dma_start3A_72 = tpu.memref_squeeze %dma_start3A_71 : memref<1x128x128xf32, #tpu.memory_space<hbm>> -> memref<128x128xf32, #tpu.memory_space<hbm>>
      %dma_start3A_73 = arith.constant 0 : i32
      %dma_start3A_74 = tpu.memref_slice %arg5[%arg0, %add3A_51, %dma_start3A_73] : memref<2x10112x128xf32, #tpu.memory_space<hbm>> -> memref<1x128x128xf32, #tpu.memory_space<hbm>>
      %dma_start3A_75 = tpu.memref_squeeze %dma_start3A_74 : memref<1x128x128xf32, #tpu.memory_space<hbm>> -> memref<128x128xf32, #tpu.memory_space<hbm>>
      %dma_start3A_76 = arith.constant 0 : i32
      %dma_start3A_77 = arith.constant 0 : i32
      %dma_start3A_78 = tpu.memref_slice %arg9[%dma_start3A_76, %dma_start3A_77] : memref<128x128xf32, #tpu.memory_space<vmem>> -> memref<128x128xf32, #tpu.memory_space<vmem>>
      tpu.enqueue_dma source(%dma_start3A_78 : memref<128x128xf32, #tpu.memory_space<vmem>>) target(%dma_start3A_75 : memref<128x128xf32, #tpu.memory_space<hbm>>) target_semaphore(%run_scoped3A : memref<!tpu.dma_semaphore, #tpu.memory_space<semaphore_mem>>)
      %dma_wait3A = arith.constant 0 : i32
      %dma_wait3A_79 = arith.constant 0 : i32
      %dma_wait3A_80 = tpu.memref_slice %arg9[%dma_wait3A, %dma_wait3A_79] : memref<128x128xf32, #tpu.memory_space<vmem>> -> memref<128x128xf32, #tpu.memory_space<vmem>>
      %dma_wait3A_81 = arith.constant 0 : i32
      %dma_wait3A_82 = tpu.memref_slice %arg5[%arg0, %add3A_51, %dma_wait3A_81] : memref<2x10112x128xf32, #tpu.memory_space<hbm>> -> memref<1x128x128xf32, #tpu.memory_space<hbm>>
      %dma_wait3A_83 = tpu.memref_squeeze %dma_wait3A_82 : memref<1x128x128xf32, #tpu.memory_space<hbm>> -> memref<128x128xf32, #tpu.memory_space<hbm>>
      %dma_wait3A_84 = arith.constant 0 : i32
      %dma_wait3A_85 = tpu.memref_slice %arg5[%arg0, %add3A_51, %dma_wait3A_84] : memref<2x10112x128xf32, #tpu.memory_space<hbm>> -> memref<1x128x128xf32, #tpu.memory_space<hbm>>
      %dma_wait3A_86 = tpu.memref_squeeze %dma_wait3A_85 : memref<1x128x128xf32, #tpu.memory_space<hbm>> -> memref<128x128xf32, #tpu.memory_space<hbm>>
      %dma_wait3A_87 = arith.constant 0 : i32
      %dma_wait3A_88 = arith.constant 0 : i32
      %dma_wait3A_89 = tpu.memref_slice %arg9[%dma_wait3A_87, %dma_wait3A_88] : memref<128x128xf32, #tpu.memory_space<vmem>> -> memref<128x128xf32, #tpu.memory_space<vmem>>
      tpu.wait_dma2 semaphore(%run_scoped3A : memref<!tpu.dma_semaphore, #tpu.memory_space<semaphore_mem>>) src(%dma_wait3A_89 : memref<128x128xf32, #tpu.memory_space<vmem>>) dst(%dma_wait3A_86 : memref<128x128xf32, #tpu.memory_space<hbm>>)
      tpu.yield
    }) : () -> ()
    %add3A_52 = arith.constant 128 : i32
    %add3A_53 = arith.addi %mul3A_2, %add3A_52 : i32
    "tpu.region"() ({
      %run_scoped3A = tpu.sem_alloc : memref<!tpu.dma_semaphore, #tpu.memory_space<semaphore_mem>>
      %dma_start3A = arith.constant 0 : i32
      %dma_start3A_68 = arith.constant 0 : i32
      %dma_start3A_69 = tpu.memref_slice %arg9[%dma_start3A, %dma_start3A_68] : memref<128x128xf32, #tpu.memory_space<vmem>> -> memref<128x128xf32, #tpu.memory_space<vmem>>
      %dma_start3A_70 = arith.constant 0 : i32
      %dma_start3A_71 = tpu.memref_slice %arg7[%add3A_53, %dma_start3A_70] : memref<10112x128xf32, #tpu.memory_space<vmem_shared>> -> memref<128x128xf32, #tpu.memory_space<vmem_shared>>
      %dma_start3A_72 = arith.constant 0 : i32
      %dma_start3A_73 = arith.constant 0 : i32
      %dma_start3A_74 = tpu.memref_slice %arg9[%dma_start3A_72, %dma_start3A_73] : memref<128x128xf32, #tpu.memory_space<vmem>> -> memref<128x128xf32, #tpu.memory_space<vmem>>
      %dma_start3A_75 = arith.constant 0 : i32
      %dma_start3A_76 = tpu.memref_slice %arg7[%add3A_53, %dma_start3A_75] : memref<10112x128xf32, #tpu.memory_space<vmem_shared>> -> memref<128x128xf32, #tpu.memory_space<vmem_shared>>
      tpu.enqueue_dma source(%dma_start3A_76 : memref<128x128xf32, #tpu.memory_space<vmem_shared>>) target(%dma_start3A_74 : memref<128x128xf32, #tpu.memory_space<vmem>>) target_semaphore(%run_scoped3A : memref<!tpu.dma_semaphore, #tpu.memory_space<semaphore_mem>>)
      %dma_wait3A = arith.constant 0 : i32
      %dma_wait3A_77 = arith.constant 0 : i32
      %dma_wait3A_78 = tpu.memref_slice %arg9[%dma_wait3A, %dma_wait3A_77] : memref<128x128xf32, #tpu.memory_space<vmem>> -> memref<128x128xf32, #tpu.memory_space<vmem>>
      %dma_wait3A_79 = arith.constant 0 : i32
      %dma_wait3A_80 = tpu.memref_slice %arg7[%add3A_53, %dma_wait3A_79] : memref<10112x128xf32, #tpu.memory_space<vmem_shared>> -> memref<128x128xf32, #tpu.memory_space<vmem_shared>>
      %dma_wait3A_81 = arith.constant 0 : i32
      %dma_wait3A_82 = arith.constant 0 : i32
      %dma_wait3A_83 = tpu.memref_slice %arg9[%dma_wait3A_81, %dma_wait3A_82] : memref<128x128xf32, #tpu.memory_space<vmem>> -> memref<128x128xf32, #tpu.memory_space<vmem>>
      %dma_wait3A_84 = arith.constant 0 : i32
      %dma_wait3A_85 = tpu.memref_slice %arg7[%add3A_53, %dma_wait3A_84] : memref<10112x128xf32, #tpu.memory_space<vmem_shared>> -> memref<128x128xf32, #tpu.memory_space<vmem_shared>>
      tpu.wait_dma2 semaphore(%run_scoped3A : memref<!tpu.dma_semaphore, #tpu.memory_space<semaphore_mem>>) src(%dma_wait3A_85 : memref<128x128xf32, #tpu.memory_space<vmem_shared>>) dst(%dma_wait3A_83 : memref<128x128xf32, #tpu.memory_space<vmem>>)
      tpu.yield
    }) : () -> ()
    %add3A_54 = arith.constant 128 : i32
    %add3A_55 = arith.addi %mul3A_2, %add3A_54 : i32
    "tpu.region"() ({
      %run_scoped3A = tpu.sem_alloc : memref<!tpu.dma_semaphore, #tpu.memory_space<semaphore_mem>>
      %dma_start3A = arith.constant 0 : i32
      %dma_start3A_68 = arith.constant 0 : i32
      %dma_start3A_69 = tpu.memref_slice %arg9[%dma_start3A, %dma_start3A_68] : memref<128x128xf32, #tpu.memory_space<vmem>> -> memref<128x128xf32, #tpu.memory_space<vmem>>
      %dma_start3A_70 = arith.constant 0 : i32
      %dma_start3A_71 = tpu.memref_slice %arg5[%arg0, %add3A_55, %dma_start3A_70] : memref<2x10112x128xf32, #tpu.memory_space<hbm>> -> memref<1x128x128xf32, #tpu.memory_space<hbm>>
      %dma_start3A_72 = tpu.memref_squeeze %dma_start3A_71 : memref<1x128x128xf32, #tpu.memory_space<hbm>> -> memref<128x128xf32, #tpu.memory_space<hbm>>
      %dma_start3A_73 = arith.constant 0 : i32
      %dma_start3A_74 = tpu.memref_slice %arg5[%arg0, %add3A_55, %dma_start3A_73] : memref<2x10112x128xf32, #tpu.memory_space<hbm>> -> memref<1x128x128xf32, #tpu.memory_space<hbm>>
      %dma_start3A_75 = tpu.memref_squeeze %dma_start3A_74 : memref<1x128x128xf32, #tpu.memory_space<hbm>> -> memref<128x128xf32, #tpu.memory_space<hbm>>
      %dma_start3A_76 = arith.constant 0 : i32
      %dma_start3A_77 = arith.constant 0 : i32
      %dma_start3A_78 = tpu.memref_slice %arg9[%dma_start3A_76, %dma_start3A_77] : memref<128x128xf32, #tpu.memory_space<vmem>> -> memref<128x128xf32, #tpu.memory_space<vmem>>
      tpu.enqueue_dma source(%dma_start3A_78 : memref<128x128xf32, #tpu.memory_space<vmem>>) target(%dma_start3A_75 : memref<128x128xf32, #tpu.memory_space<hbm>>) target_semaphore(%run_scoped3A : memref<!tpu.dma_semaphore, #tpu.memory_space<semaphore_mem>>)
      %dma_wait3A = arith.constant 0 : i32
      %dma_wait3A_79 = arith.constant 0 : i32
      %dma_wait3A_80 = tpu.memref_slice %arg9[%dma_wait3A, %dma_wait3A_79] : memref<128x128xf32, #tpu.memory_space<vmem>> -> memref<128x128xf32, #tpu.memory_space<vmem>>
      %dma_wait3A_81 = arith.constant 0 : i32
      %dma_wait3A_82 = tpu.memref_slice %arg5[%arg0, %add3A_55, %dma_wait3A_81] : memref<2x10112x128xf32, #tpu.memory_space<hbm>> -> memref<1x128x128xf32, #tpu.memory_space<hbm>>
      %dma_wait3A_83 = tpu.memref_squeeze %dma_wait3A_82 : memref<1x128x128xf32, #tpu.memory_space<hbm>> -> memref<128x128xf32, #tpu.memory_space<hbm>>
      %dma_wait3A_84 = arith.constant 0 : i32
      %dma_wait3A_85 = tpu.memref_slice %arg5[%arg0, %add3A_55, %dma_wait3A_84] : memref<2x10112x128xf32, #tpu.memory_space<hbm>> -> memref<1x128x128xf32, #tpu.memory_space<hbm>>
      %dma_wait3A_86 = tpu.memref_squeeze %dma_wait3A_85 : memref<1x128x128xf32, #tpu.memory_space<hbm>> -> memref<128x128xf32, #tpu.memory_space<hbm>>
      %dma_wait3A_87 = arith.constant 0 : i32
      %dma_wait3A_88 = arith.constant 0 : i32
      %dma_wait3A_89 = tpu.memref_slice %arg9[%dma_wait3A_87, %dma_wait3A_88] : memref<128x128xf32, #tpu.memory_space<vmem>> -> memref<128x128xf32, #tpu.memory_space<vmem>>
      tpu.wait_dma2 semaphore(%run_scoped3A : memref<!tpu.dma_semaphore, #tpu.memory_space<semaphore_mem>>) src(%dma_wait3A_89 : memref<128x128xf32, #tpu.memory_space<vmem>>) dst(%dma_wait3A_86 : memref<128x128xf32, #tpu.memory_space<hbm>>)
      tpu.yield
    }) : () -> ()
    %add3A_56 = arith.constant 256 : i32
    %add3A_57 = arith.addi %mul3A_2, %add3A_56 : i32
    "tpu.region"() ({
      %run_scoped3A = tpu.sem_alloc : memref<!tpu.dma_semaphore, #tpu.memory_space<semaphore_mem>>
      %dma_start3A = arith.constant 0 : i32
      %dma_start3A_68 = arith.constant 0 : i32
      %dma_start3A_69 = tpu.memref_slice %arg9[%dma_start3A, %dma_start3A_68] : memref<128x128xf32, #tpu.memory_space<vmem>> -> memref<128x128xf32, #tpu.memory_space<vmem>>
      %dma_start3A_70 = arith.constant 0 : i32
      %dma_start3A_71 = tpu.memref_slice %arg7[%add3A_57, %dma_start3A_70] : memref<10112x128xf32, #tpu.memory_space<vmem_shared>> -> memref<128x128xf32, #tpu.memory_space<vmem_shared>>
      %dma_start3A_72 = arith.constant 0 : i32
      %dma_start3A_73 = arith.constant 0 : i32
      %dma_start3A_74 = tpu.memref_slice %arg9[%dma_start3A_72, %dma_start3A_73] : memref<128x128xf32, #tpu.memory_space<vmem>> -> memref<128x128xf32, #tpu.memory_space<vmem>>
      %dma_start3A_75 = arith.constant 0 : i32
      %dma_start3A_76 = tpu.memref_slice %arg7[%add3A_57, %dma_start3A_75] : memref<10112x128xf32, #tpu.memory_space<vmem_shared>> -> memref<128x128xf32, #tpu.memory_space<vmem_shared>>
      tpu.enqueue_dma source(%dma_start3A_76 : memref<128x128xf32, #tpu.memory_space<vmem_shared>>) target(%dma_start3A_74 : memref<128x128xf32, #tpu.memory_space<vmem>>) target_semaphore(%run_scoped3A : memref<!tpu.dma_semaphore, #tpu.memory_space<semaphore_mem>>)
      %dma_wait3A = arith.constant 0 : i32
      %dma_wait3A_77 = arith.constant 0 : i32
      %dma_wait3A_78 = tpu.memref_slice %arg9[%dma_wait3A, %dma_wait3A_77] : memref<128x128xf32, #tpu.memory_space<vmem>> -> memref<128x128xf32, #tpu.memory_space<vmem>>
      %dma_wait3A_79 = arith.constant 0 : i32
      %dma_wait3A_80 = tpu.memref_slice %arg7[%add3A_57, %dma_wait3A_79] : memref<10112x128xf32, #tpu.memory_space<vmem_shared>> -> memref<128x128xf32, #tpu.memory_space<vmem_shared>>
      %dma_wait3A_81 = arith.constant 0 : i32
      %dma_wait3A_82 = arith.constant 0 : i32
      %dma_wait3A_83 = tpu.memref_slice %arg9[%dma_wait3A_81, %dma_wait3A_82] : memref<128x128xf32, #tpu.memory_space<vmem>> -> memref<128x128xf32, #tpu.memory_space<vmem>>
      %dma_wait3A_84 = arith.constant 0 : i32
      %dma_wait3A_85 = tpu.memref_slice %arg7[%add3A_57, %dma_wait3A_84] : memref<10112x128xf32, #tpu.memory_space<vmem_shared>> -> memref<128x128xf32, #tpu.memory_space<vmem_shared>>
      tpu.wait_dma2 semaphore(%run_scoped3A : memref<!tpu.dma_semaphore, #tpu.memory_space<semaphore_mem>>) src(%dma_wait3A_85 : memref<128x128xf32, #tpu.memory_space<vmem_shared>>) dst(%dma_wait3A_83 : memref<128x128xf32, #tpu.memory_space<vmem>>)
      tpu.yield
    }) : () -> ()
    %add3A_58 = arith.constant 256 : i32
    %add3A_59 = arith.addi %mul3A_2, %add3A_58 : i32
    "tpu.region"() ({
      %run_scoped3A = tpu.sem_alloc : memref<!tpu.dma_semaphore, #tpu.memory_space<semaphore_mem>>
      %dma_start3A = arith.constant 0 : i32
      %dma_start3A_68 = arith.constant 0 : i32
      %dma_start3A_69 = tpu.memref_slice %arg9[%dma_start3A, %dma_start3A_68] : memref<128x128xf32, #tpu.memory_space<vmem>> -> memref<128x128xf32, #tpu.memory_space<vmem>>
      %dma_start3A_70 = arith.constant 0 : i32
      %dma_start3A_71 = tpu.memref_slice %arg5[%arg0, %add3A_59, %dma_start3A_70] : memref<2x10112x128xf32, #tpu.memory_space<hbm>> -> memref<1x128x128xf32, #tpu.memory_space<hbm>>
      %dma_start3A_72 = tpu.memref_squeeze %dma_start3A_71 : memref<1x128x128xf32, #tpu.memory_space<hbm>> -> memref<128x128xf32, #tpu.memory_space<hbm>>
      %dma_start3A_73 = arith.constant 0 : i32
      %dma_start3A_74 = tpu.memref_slice %arg5[%arg0, %add3A_59, %dma_start3A_73] : memref<2x10112x128xf32, #tpu.memory_space<hbm>> -> memref<1x128x128xf32, #tpu.memory_space<hbm>>
      %dma_start3A_75 = tpu.memref_squeeze %dma_start3A_74 : memref<1x128x128xf32, #tpu.memory_space<hbm>> -> memref<128x128xf32, #tpu.memory_space<hbm>>
      %dma_start3A_76 = arith.constant 0 : i32
      %dma_start3A_77 = arith.constant 0 : i32
      %dma_start3A_78 = tpu.memref_slice %arg9[%dma_start3A_76, %dma_start3A_77] : memref<128x128xf32, #tpu.memory_space<vmem>> -> memref<128x128xf32, #tpu.memory_space<vmem>>
      tpu.enqueue_dma source(%dma_start3A_78 : memref<128x128xf32, #tpu.memory_space<vmem>>) target(%dma_start3A_75 : memref<128x128xf32, #tpu.memory_space<hbm>>) target_semaphore(%run_scoped3A : memref<!tpu.dma_semaphore, #tpu.memory_space<semaphore_mem>>)
      %dma_wait3A = arith.constant 0 : i32
      %dma_wait3A_79 = arith.constant 0 : i32
      %dma_wait3A_80 = tpu.memref_slice %arg9[%dma_wait3A, %dma_wait3A_79] : memref<128x128xf32, #tpu.memory_space<vmem>> -> memref<128x128xf32, #tpu.memory_space<vmem>>
      %dma_wait3A_81 = arith.constant 0 : i32
      %dma_wait3A_82 = tpu.memref_slice %arg5[%arg0, %add3A_59, %dma_wait3A_81] : memref<2x10112x128xf32, #tpu.memory_space<hbm>> -> memref<1x128x128xf32, #tpu.memory_space<hbm>>
      %dma_wait3A_83 = tpu.memref_squeeze %dma_wait3A_82 : memref<1x128x128xf32, #tpu.memory_space<hbm>> -> memref<128x128xf32, #tpu.memory_space<hbm>>
      %dma_wait3A_84 = arith.constant 0 : i32
      %dma_wait3A_85 = tpu.memref_slice %arg5[%arg0, %add3A_59, %dma_wait3A_84] : memref<2x10112x128xf32, #tpu.memory_space<hbm>> -> memref<1x128x128xf32, #tpu.memory_space<hbm>>
      %dma_wait3A_86 = tpu.memref_squeeze %dma_wait3A_85 : memref<1x128x128xf32, #tpu.memory_space<hbm>> -> memref<128x128xf32, #tpu.memory_space<hbm>>
      %dma_wait3A_87 = arith.constant 0 : i32
      %dma_wait3A_88 = arith.constant 0 : i32
      %dma_wait3A_89 = tpu.memref_slice %arg9[%dma_wait3A_87, %dma_wait3A_88] : memref<128x128xf32, #tpu.memory_space<vmem>> -> memref<128x128xf32, #tpu.memory_space<vmem>>
      tpu.wait_dma2 semaphore(%run_scoped3A : memref<!tpu.dma_semaphore, #tpu.memory_space<semaphore_mem>>) src(%dma_wait3A_89 : memref<128x128xf32, #tpu.memory_space<vmem>>) dst(%dma_wait3A_86 : memref<128x128xf32, #tpu.memory_space<hbm>>)
      tpu.yield
    }) : () -> ()
    %add3A_60 = arith.constant 384 : i32
    %add3A_61 = arith.addi %mul3A_2, %add3A_60 : i32
    "tpu.region"() ({
      %run_scoped3A = tpu.sem_alloc : memref<!tpu.dma_semaphore, #tpu.memory_space<semaphore_mem>>
      %dma_start3A = arith.constant 0 : i32
      %dma_start3A_68 = arith.constant 0 : i32
      %dma_start3A_69 = tpu.memref_slice %arg9[%dma_start3A, %dma_start3A_68] : memref<128x128xf32, #tpu.memory_space<vmem>> -> memref<128x128xf32, #tpu.memory_space<vmem>>
      %dma_start3A_70 = arith.constant 0 : i32
      %dma_start3A_71 = tpu.memref_slice %arg7[%add3A_61, %dma_start3A_70] : memref<10112x128xf32, #tpu.memory_space<vmem_shared>> -> memref<128x128xf32, #tpu.memory_space<vmem_shared>>
      %dma_start3A_72 = arith.constant 0 : i32
      %dma_start3A_73 = arith.constant 0 : i32
      %dma_start3A_74 = tpu.memref_slice %arg9[%dma_start3A_72, %dma_start3A_73] : memref<128x128xf32, #tpu.memory_space<vmem>> -> memref<128x128xf32, #tpu.memory_space<vmem>>
      %dma_start3A_75 = arith.constant 0 : i32
      %dma_start3A_76 = tpu.memref_slice %arg7[%add3A_61, %dma_start3A_75] : memref<10112x128xf32, #tpu.memory_space<vmem_shared>> -> memref<128x128xf32, #tpu.memory_space<vmem_shared>>
      tpu.enqueue_dma source(%dma_start3A_76 : memref<128x128xf32, #tpu.memory_space<vmem_shared>>) target(%dma_start3A_74 : memref<128x128xf32, #tpu.memory_space<vmem>>) target_semaphore(%run_scoped3A : memref<!tpu.dma_semaphore, #tpu.memory_space<semaphore_mem>>)
      %dma_wait3A = arith.constant 0 : i32
      %dma_wait3A_77 = arith.constant 0 : i32
      %dma_wait3A_78 = tpu.memref_slice %arg9[%dma_wait3A, %dma_wait3A_77] : memref<128x128xf32, #tpu.memory_space<vmem>> -> memref<128x128xf32, #tpu.memory_space<vmem>>
      %dma_wait3A_79 = arith.constant 0 : i32
      %dma_wait3A_80 = tpu.memref_slice %arg7[%add3A_61, %dma_wait3A_79] : memref<10112x128xf32, #tpu.memory_space<vmem_shared>> -> memref<128x128xf32, #tpu.memory_space<vmem_shared>>
      %dma_wait3A_81 = arith.constant 0 : i32
      %dma_wait3A_82 = arith.constant 0 : i32
      %dma_wait3A_83 = tpu.memref_slice %arg9[%dma_wait3A_81, %dma_wait3A_82] : memref<128x128xf32, #tpu.memory_space<vmem>> -> memref<128x128xf32, #tpu.memory_space<vmem>>
      %dma_wait3A_84 = arith.constant 0 : i32
      %dma_wait3A_85 = tpu.memref_slice %arg7[%add3A_61, %dma_wait3A_84] : memref<10112x128xf32, #tpu.memory_space<vmem_shared>> -> memref<128x128xf32, #tpu.memory_space<vmem_shared>>
      tpu.wait_dma2 semaphore(%run_scoped3A : memref<!tpu.dma_semaphore, #tpu.memory_space<semaphore_mem>>) src(%dma_wait3A_85 : memref<128x128xf32, #tpu.memory_space<vmem_shared>>) dst(%dma_wait3A_83 : memref<128x128xf32, #tpu.memory_space<vmem>>)
      tpu.yield
    }) : () -> ()
    %add3A_62 = arith.constant 384 : i32
    %add3A_63 = arith.addi %mul3A_2, %add3A_62 : i32
    "tpu.region"() ({
      %run_scoped3A = tpu.sem_alloc : memref<!tpu.dma_semaphore, #tpu.memory_space<semaphore_mem>>
      %dma_start3A = arith.constant 0 : i32
      %dma_start3A_68 = arith.constant 0 : i32
      %dma_start3A_69 = tpu.memref_slice %arg9[%dma_start3A, %dma_start3A_68] : memref<128x128xf32, #tpu.memory_space<vmem>> -> memref<128x128xf32, #tpu.memory_space<vmem>>
      %dma_start3A_70 = arith.constant 0 : i32
      %dma_start3A_71 = tpu.memref_slice %arg5[%arg0, %add3A_63, %dma_start3A_70] : memref<2x10112x128xf32, #tpu.memory_space<hbm>> -> memref<1x128x128xf32, #tpu.memory_space<hbm>>
      %dma_start3A_72 = tpu.memref_squeeze %dma_start3A_71 : memref<1x128x128xf32, #tpu.memory_space<hbm>> -> memref<128x128xf32, #tpu.memory_space<hbm>>
      %dma_start3A_73 = arith.constant 0 : i32
      %dma_start3A_74 = tpu.memref_slice %arg5[%arg0, %add3A_63, %dma_start3A_73] : memref<2x10112x128xf32, #tpu.memory_space<hbm>> -> memref<1x128x128xf32, #tpu.memory_space<hbm>>
      %dma_start3A_75 = tpu.memref_squeeze %dma_start3A_74 : memref<1x128x128xf32, #tpu.memory_space<hbm>> -> memref<128x128xf32, #tpu.memory_space<hbm>>
      %dma_start3A_76 = arith.constant 0 : i32
      %dma_start3A_77 = arith.constant 0 : i32
      %dma_start3A_78 = tpu.memref_slice %arg9[%dma_start3A_76, %dma_start3A_77] : memref<128x128xf32, #tpu.memory_space<vmem>> -> memref<128x128xf32, #tpu.memory_space<vmem>>
      tpu.enqueue_dma source(%dma_start3A_78 : memref<128x128xf32, #tpu.memory_space<vmem>>) target(%dma_start3A_75 : memref<128x128xf32, #tpu.memory_space<hbm>>) target_semaphore(%run_scoped3A : memref<!tpu.dma_semaphore, #tpu.memory_space<semaphore_mem>>)
      %dma_wait3A = arith.constant 0 : i32
      %dma_wait3A_79 = arith.constant 0 : i32
      %dma_wait3A_80 = tpu.memref_slice %arg9[%dma_wait3A, %dma_wait3A_79] : memref<128x128xf32, #tpu.memory_space<vmem>> -> memref<128x128xf32, #tpu.memory_space<vmem>>
      %dma_wait3A_81 = arith.constant 0 : i32
      %dma_wait3A_82 = tpu.memref_slice %arg5[%arg0, %add3A_63, %dma_wait3A_81] : memref<2x10112x128xf32, #tpu.memory_space<hbm>> -> memref<1x128x128xf32, #tpu.memory_space<hbm>>
      %dma_wait3A_83 = tpu.memref_squeeze %dma_wait3A_82 : memref<1x128x128xf32, #tpu.memory_space<hbm>> -> memref<128x128xf32, #tpu.memory_space<hbm>>
      %dma_wait3A_84 = arith.constant 0 : i32
      %dma_wait3A_85 = tpu.memref_slice %arg5[%arg0, %add3A_63, %dma_wait3A_84] : memref<2x10112x128xf32, #tpu.memory_space<hbm>> -> memref<1x128x128xf32, #tpu.memory_space<hbm>>
      %dma_wait3A_86 = tpu.memref_squeeze %dma_wait3A_85 : memref<1x128x128xf32, #tpu.memory_space<hbm>> -> memref<128x128xf32, #tpu.memory_space<hbm>>
      %dma_wait3A_87 = arith.constant 0 : i32
      %dma_wait3A_88 = arith.constant 0 : i32
      %dma_wait3A_89 = tpu.memref_slice %arg9[%dma_wait3A_87, %dma_wait3A_88] : memref<128x128xf32, #tpu.memory_space<vmem>> -> memref<128x128xf32, #tpu.memory_space<vmem>>
      tpu.wait_dma2 semaphore(%run_scoped3A : memref<!tpu.dma_semaphore, #tpu.memory_space<semaphore_mem>>) src(%dma_wait3A_89 : memref<128x128xf32, #tpu.memory_space<vmem>>) dst(%dma_wait3A_86 : memref<128x128xf32, #tpu.memory_space<hbm>>)
      tpu.yield
    }) : () -> ()
    %add3A_64 = arith.constant 512 : i32
    %add3A_65 = arith.addi %mul3A_2, %add3A_64 : i32
    "tpu.region"() ({
      %run_scoped3A = tpu.sem_alloc : memref<!tpu.dma_semaphore, #tpu.memory_space<semaphore_mem>>
      %dma_start3A = arith.constant 0 : i32
      %dma_start3A_68 = arith.constant 0 : i32
      %dma_start3A_69 = tpu.memref_slice %arg9[%dma_start3A, %dma_start3A_68] : memref<128x128xf32, #tpu.memory_space<vmem>> -> memref<120x128xf32, #tpu.memory_space<vmem>>
      %dma_start3A_70 = arith.constant 0 : i32
      %dma_start3A_71 = tpu.memref_slice %arg7[%add3A_65, %dma_start3A_70] : memref<10112x128xf32, #tpu.memory_space<vmem_shared>> -> memref<120x128xf32, #tpu.memory_space<vmem_shared>>
      %dma_start3A_72 = arith.constant 0 : i32
      %dma_start3A_73 = arith.constant 0 : i32
      %dma_start3A_74 = tpu.memref_slice %arg9[%dma_start3A_72, %dma_start3A_73] : memref<128x128xf32, #tpu.memory_space<vmem>> -> memref<120x128xf32, #tpu.memory_space<vmem>>
      %dma_start3A_75 = arith.constant 0 : i32
      %dma_start3A_76 = tpu.memref_slice %arg7[%add3A_65, %dma_start3A_75] : memref<10112x128xf32, #tpu.memory_space<vmem_shared>> -> memref<120x128xf32, #tpu.memory_space<vmem_shared>>
      tpu.enqueue_dma source(%dma_start3A_76 : memref<120x128xf32, #tpu.memory_space<vmem_shared>>) target(%dma_start3A_74 : memref<120x128xf32, #tpu.memory_space<vmem>>) target_semaphore(%run_scoped3A : memref<!tpu.dma_semaphore, #tpu.memory_space<semaphore_mem>>)
      %dma_wait3A = arith.constant 0 : i32
      %dma_wait3A_77 = arith.constant 0 : i32
      %dma_wait3A_78 = tpu.memref_slice %arg9[%dma_wait3A, %dma_wait3A_77] : memref<128x128xf32, #tpu.memory_space<vmem>> -> memref<120x128xf32, #tpu.memory_space<vmem>>
      %dma_wait3A_79 = arith.constant 0 : i32
      %dma_wait3A_80 = tpu.memref_slice %arg7[%add3A_65, %dma_wait3A_79] : memref<10112x128xf32, #tpu.memory_space<vmem_shared>> -> memref<120x128xf32, #tpu.memory_space<vmem_shared>>
      %dma_wait3A_81 = arith.constant 0 : i32
      %dma_wait3A_82 = arith.constant 0 : i32
      %dma_wait3A_83 = tpu.memref_slice %arg9[%dma_wait3A_81, %dma_wait3A_82] : memref<128x128xf32, #tpu.memory_space<vmem>> -> memref<120x128xf32, #tpu.memory_space<vmem>>
      %dma_wait3A_84 = arith.constant 0 : i32
      %dma_wait3A_85 = tpu.memref_slice %arg7[%add3A_65, %dma_wait3A_84] : memref<10112x128xf32, #tpu.memory_space<vmem_shared>> -> memref<120x128xf32, #tpu.memory_space<vmem_shared>>
      tpu.wait_dma2 semaphore(%run_scoped3A : memref<!tpu.dma_semaphore, #tpu.memory_space<semaphore_mem>>) src(%dma_wait3A_85 : memref<120x128xf32, #tpu.memory_space<vmem_shared>>) dst(%dma_wait3A_83 : memref<120x128xf32, #tpu.memory_space<vmem>>)
      tpu.yield
    }) : () -> ()
    %add3A_66 = arith.constant 512 : i32
    %add3A_67 = arith.addi %mul3A_2, %add3A_66 : i32
    "tpu.region"() ({
      %run_scoped3A = tpu.sem_alloc : memref<!tpu.dma_semaphore, #tpu.memory_space<semaphore_mem>>
      %dma_start3A = arith.constant 0 : i32
      %dma_start3A_68 = arith.constant 0 : i32
      %dma_start3A_69 = tpu.memref_slice %arg9[%dma_start3A, %dma_start3A_68] : memref<128x128xf32, #tpu.memory_space<vmem>> -> memref<120x128xf32, #tpu.memory_space<vmem>>
      %dma_start3A_70 = arith.constant 0 : i32
      %dma_start3A_71 = tpu.memref_slice %arg5[%arg0, %add3A_67, %dma_start3A_70] : memref<2x10112x128xf32, #tpu.memory_space<hbm>> -> memref<1x120x128xf32, #tpu.memory_space<hbm>>
      %dma_start3A_72 = tpu.memref_squeeze %dma_start3A_71 : memref<1x120x128xf32, #tpu.memory_space<hbm>> -> memref<120x128xf32, #tpu.memory_space<hbm>>
      %dma_start3A_73 = arith.constant 0 : i32
      %dma_start3A_74 = tpu.memref_slice %arg5[%arg0, %add3A_67, %dma_start3A_73] : memref<2x10112x128xf32, #tpu.memory_space<hbm>> -> memref<1x120x128xf32, #tpu.memory_space<hbm>>
      %dma_start3A_75 = tpu.memref_squeeze %dma_start3A_74 : memref<1x120x128xf32, #tpu.memory_space<hbm>> -> memref<120x128xf32, #tpu.memory_space<hbm>>
      %dma_start3A_76 = arith.constant 0 : i32
      %dma_start3A_77 = arith.constant 0 : i32
      %dma_start3A_78 = tpu.memref_slice %arg9[%dma_start3A_76, %dma_start3A_77] : memref<128x128xf32, #tpu.memory_space<vmem>> -> memref<120x128xf32, #tpu.memory_space<vmem>>
      tpu.enqueue_dma source(%dma_start3A_78 : memref<120x128xf32, #tpu.memory_space<vmem>>) target(%dma_start3A_75 : memref<120x128xf32, #tpu.memory_space<hbm>>) target_semaphore(%run_scoped3A : memref<!tpu.dma_semaphore, #tpu.memory_space<semaphore_mem>>)
      %dma_wait3A = arith.constant 0 : i32
      %dma_wait3A_79 = arith.constant 0 : i32
      %dma_wait3A_80 = tpu.memref_slice %arg9[%dma_wait3A, %dma_wait3A_79] : memref<128x128xf32, #tpu.memory_space<vmem>> -> memref<120x128xf32, #tpu.memory_space<vmem>>
      %dma_wait3A_81 = arith.constant 0 : i32
      %dma_wait3A_82 = tpu.memref_slice %arg5[%arg0, %add3A_67, %dma_wait3A_81] : memref<2x10112x128xf32, #tpu.memory_space<hbm>> -> memref<1x120x128xf32, #tpu.memory_space<hbm>>
      %dma_wait3A_83 = tpu.memref_squeeze %dma_wait3A_82 : memref<1x120x128xf32, #tpu.memory_space<hbm>> -> memref<120x128xf32, #tpu.memory_space<hbm>>
      %dma_wait3A_84 = arith.constant 0 : i32
      %dma_wait3A_85 = tpu.memref_slice %arg5[%arg0, %add3A_67, %dma_wait3A_84] : memref<2x10112x128xf32, #tpu.memory_space<hbm>> -> memref<1x120x128xf32, #tpu.memory_space<hbm>>
      %dma_wait3A_86 = tpu.memref_squeeze %dma_wait3A_85 : memref<1x120x128xf32, #tpu.memory_space<hbm>> -> memref<120x128xf32, #tpu.memory_space<hbm>>
      %dma_wait3A_87 = arith.constant 0 : i32
      %dma_wait3A_88 = arith.constant 0 : i32
      %dma_wait3A_89 = tpu.memref_slice %arg9[%dma_wait3A_87, %dma_wait3A_88] : memref<128x128xf32, #tpu.memory_space<vmem>> -> memref<120x128xf32, #tpu.memory_space<vmem>>
      tpu.wait_dma2 semaphore(%run_scoped3A : memref<!tpu.dma_semaphore, #tpu.memory_space<semaphore_mem>>) src(%dma_wait3A_89 : memref<120x128xf32, #tpu.memory_space<vmem>>) dst(%dma_wait3A_86 : memref<120x128xf32, #tpu.memory_space<hbm>>)
      tpu.yield
    }) : () -> ()
    "tpu.region"() ({
      %run_scoped3A = tpu.sem_alloc : memref<!tpu.dma_semaphore, #tpu.memory_space<semaphore_mem>>
      %dma_start3A = arith.constant 0 : i32
      %dma_start3A_68 = tpu.memref_slice %arg6[%add3A, %dma_start3A] : memref<32x10112xf32, #tpu.memory_space<hbm>> -> memref<1x10112xf32, #tpu.memory_space<hbm>>
      %dma_start3A_69 = tpu.memref_squeeze %dma_start3A_68 : memref<1x10112xf32, #tpu.memory_space<hbm>> -> memref<10112xf32, #tpu.memory_space<hbm>>
      %dma_start3A_70 = arith.constant 0 : i32
      %dma_start3A_71 = tpu.memref_slice %arg6[%add3A, %dma_start3A_70] : memref<32x10112xf32, #tpu.memory_space<hbm>> -> memref<1x10112xf32, #tpu.memory_space<hbm>>
      %dma_start3A_72 = tpu.memref_squeeze %dma_start3A_71 : memref<1x10112xf32, #tpu.memory_space<hbm>> -> memref<10112xf32, #tpu.memory_space<hbm>>
      tpu.enqueue_dma source(%arg10 : memref<10112xf32, #tpu.memory_space<vmem>>) target(%dma_start3A_72 : memref<10112xf32, #tpu.memory_space<hbm>>) target_semaphore(%run_scoped3A : memref<!tpu.dma_semaphore, #tpu.memory_space<semaphore_mem>>)
      %dma_wait3A = arith.constant 0 : i32
      %dma_wait3A_73 = tpu.memref_slice %arg6[%add3A, %dma_wait3A] : memref<32x10112xf32, #tpu.memory_space<hbm>> -> memref<1x10112xf32, #tpu.memory_space<hbm>>
      %dma_wait3A_74 = tpu.memref_squeeze %dma_wait3A_73 : memref<1x10112xf32, #tpu.memory_space<hbm>> -> memref<10112xf32, #tpu.memory_space<hbm>>
      %dma_wait3A_75 = arith.constant 0 : i32
      %dma_wait3A_76 = tpu.memref_slice %arg6[%add3A, %dma_wait3A_75] : memref<32x10112xf32, #tpu.memory_space<hbm>> -> memref<1x10112xf32, #tpu.memory_space<hbm>>
      %dma_wait3A_77 = tpu.memref_squeeze %dma_wait3A_76 : memref<1x10112xf32, #tpu.memory_space<hbm>> -> memref<10112xf32, #tpu.memory_space<hbm>>
      tpu.wait_dma2 semaphore(%run_scoped3A : memref<!tpu.dma_semaphore, #tpu.memory_space<semaphore_mem>>) src(%arg10 : memref<10112xf32, #tpu.memory_space<vmem>>) dst(%dma_wait3A_77 : memref<10112xf32, #tpu.memory_space<hbm>>)
      tpu.yield
    }) : () -> ()
    return
  }
}

module attributes {stable_mosaic.version = 14 : i64} {
  func.func @body(%arg0: memref<2x10112x128xf32, #tpu.memory_space<vmem>>, %arg1: memref<32x10112xf32, #tpu.memory_space<vmem>>, %arg2: memref<10000x128xf32, #tpu.memory_space<vmem>>, %arg3: memref<128x128xf32, #tpu.memory_space<vmem>>, %arg4: memref<1x128xf32, #tpu.memory_space<vmem>>, %arg5: memref<128x128xf32, #tpu.memory_space<vmem>>, %arg6: memref<1x128xf32, #tpu.memory_space<vmem>>, %arg7: memref<1x128xf32, #tpu.memory_space<vmem>>, %arg8: memref<1x128xf32, #tpu.memory_space<vmem>>, %arg9: memref<10000x128xf32, #tpu.memory_space<vmem>>, %arg10: memref<10000x1xf32, #tpu.memory_space<vmem>>) attributes {dimension_semantics = [], scalar_prefetch = 0 : i64, scratch_operands = 0 : i64, tpu.core_type = #tpu.core_type<tc>} {
    %get3A = arith.constant 0 : index
    %get3A_0 = arith.constant 0 : index
    %get3A_1 = arith.constant 0 : index
    %get3A_2 = vector.load %arg0[%get3A, %get3A_0, %get3A_1] : memref<2x10112x128xf32, #tpu.memory_space<vmem>>, vector<2x10112x128xf32>
    %slice3A = vector.extract_strided_slice %get3A_2 {offsets = [0, 0, 0], sizes = [1, 10112, 128], strides = [1, 1, 1]} : vector<2x10112x128xf32> to vector<1x10112x128xf32>
    %squeeze3A = vector.shape_cast %slice3A : vector<1x10112x128xf32> to vector<10112x128xf32>
    %slice3A_3 = vector.extract_strided_slice %get3A_2 {offsets = [1, 0, 0], sizes = [1, 10112, 128], strides = [1, 1, 1]} : vector<2x10112x128xf32> to vector<1x10112x128xf32>
    %squeeze3A_4 = vector.shape_cast %slice3A_3 : vector<1x10112x128xf32> to vector<10112x128xf32>
    %add3A = arith.addf %squeeze3A, %squeeze3A_4 : vector<10112x128xf32>
    %slice3A_5 = vector.extract_strided_slice %add3A {offsets = [0, 0], sizes = [10000, 128], strides = [1, 1]} : vector<10112x128xf32> to vector<10000x128xf32>
    %get3A_6 = arith.constant 0 : index
    %get3A_7 = arith.constant 0 : index
    %get3A_8 = vector.load %arg1[%get3A_6, %get3A_7] : memref<32x10112xf32, #tpu.memory_space<vmem>>, vector<32x10112xf32>
    %reduce_sum3A = arith.constant dense<0.000000e+00> : vector<10112xf32>
    %reduce_sum3A_9 = vector.multi_reduction <add>, %get3A_8, %reduce_sum3A [0] : vector<32x10112xf32> to vector<10112xf32>
    %slice3A_10 = vector.extract_strided_slice %reduce_sum3A_9 {offsets = [0], sizes = [10000], strides = [1]} : vector<10112xf32> to vector<10000xf32>
    %max3A = arith.constant 1.000000e+00 : f32
    %max3A_11 = vector.broadcast %max3A : f32 to vector<10000xf32>
    %max3A_12 = arith.maximumf %slice3A_10, %max3A_11 : vector<10000xf32>
    %broadcast_in_dim3A = vector.shape_cast %max3A_12 : vector<10000xf32> to vector<10000x1xf32>
    %div3A = vector.broadcast %broadcast_in_dim3A : vector<10000x1xf32> to vector<10000x128xf32>
    %div3A_13 = arith.divf %slice3A_5, %div3A : vector<10000x128xf32>
    %get3A_14 = arith.constant 0 : index
    %get3A_15 = arith.constant 0 : index
    %get3A_16 = vector.load %arg3[%get3A_14, %get3A_15] : memref<128x128xf32, #tpu.memory_space<vmem>>, vector<128x128xf32>
    %dot_general3A = arith.constant dense<0.000000e+00> : vector<10000x128xf32>
    %dot_general3A_17 = tpu.matmul %div3A_13, %get3A_16, %dot_general3A {dimension_numbers = #tpu.dot_dimension_numbers<[1], [0], [0], [1], [0, 0, 1, 1], [], []>, transpose_lhs_hint = false} : vector<10000x128xf32>, vector<128x128xf32>, vector<10000x128xf32> -> vector<10000x128xf32>
    %get3A_18 = arith.constant 0 : index
    %get3A_19 = arith.constant 0 : index
    %get3A_20 = vector.load %arg2[%get3A_18, %get3A_19] : memref<10000x128xf32, #tpu.memory_space<vmem>>, vector<10000x128xf32>
    %get3A_21 = arith.constant 0 : index
    %get3A_22 = arith.constant 0 : index
    %get3A_23 = vector.load %arg5[%get3A_21, %get3A_22] : memref<128x128xf32, #tpu.memory_space<vmem>>, vector<128x128xf32>
    %dot_general3A_24 = arith.constant dense<0.000000e+00> : vector<10000x128xf32>
    %dot_general3A_25 = tpu.matmul %get3A_20, %get3A_23, %dot_general3A_24 {dimension_numbers = #tpu.dot_dimension_numbers<[1], [0], [0], [1], [0, 0, 1, 1], [], []>, transpose_lhs_hint = false} : vector<10000x128xf32>, vector<128x128xf32>, vector<10000x128xf32> -> vector<10000x128xf32>
    %add3A_26 = arith.addf %dot_general3A_17, %dot_general3A_25 : vector<10000x128xf32>
    %get3A_27 = arith.constant 0 : index
    %get3A_28 = arith.constant 0 : index
    %get3A_29 = vector.load %arg4[%get3A_27, %get3A_28] : memref<1x128xf32, #tpu.memory_space<vmem>>, vector<1x128xf32>
    %add3A_30 = vector.broadcast %get3A_29 : vector<1x128xf32> to vector<10000x128xf32>
    %add3A_31 = arith.addf %add3A_26, %add3A_30 : vector<10000x128xf32>
    %get3A_32 = arith.constant 0 : index
    %get3A_33 = arith.constant 0 : index
    %get3A_34 = vector.load %arg6[%get3A_32, %get3A_33] : memref<1x128xf32, #tpu.memory_space<vmem>>, vector<1x128xf32>
    %add3A_35 = vector.broadcast %get3A_34 : vector<1x128xf32> to vector<10000x128xf32>
    %add3A_36 = arith.addf %add3A_31, %add3A_35 : vector<10000x128xf32>
    %get3A_37 = arith.constant 0 : index
    %get3A_38 = arith.constant 0 : index
    %get3A_39 = vector.load %arg7[%get3A_37, %get3A_38] : memref<1x128xf32, #tpu.memory_space<vmem>>, vector<1x128xf32>
    %get3A_40 = arith.constant 0 : index
    %get3A_41 = arith.constant 0 : index
    %get3A_42 = vector.load %arg8[%get3A_40, %get3A_41] : memref<1x128xf32, #tpu.memory_space<vmem>>, vector<1x128xf32>
    %reduce_sum3A_43 = arith.constant dense<0.000000e+00> : vector<128xf32>
    %reduce_sum3A_44 = vector.multi_reduction <add>, %add3A_36, %reduce_sum3A_43 [0] : vector<10000x128xf32> to vector<128xf32>
    %broadcast_in_dim3A_45 = vector.shape_cast %reduce_sum3A_44 : vector<128xf32> to vector<1x128xf32>
    %div3A_46 = arith.constant 1.000000e+04 : f32
    %div3A_47 = vector.broadcast %div3A_46 : f32 to vector<1x128xf32>
    %div3A_48 = arith.divf %broadcast_in_dim3A_45, %div3A_47 : vector<1x128xf32>
    %sub3A = vector.broadcast %div3A_48 : vector<1x128xf32> to vector<10000x128xf32>
    %sub3A_49 = arith.subf %add3A_36, %sub3A : vector<10000x128xf32>
    %integer_pow3A = arith.mulf %sub3A_49, %sub3A_49 : vector<10000x128xf32>
    %reduce_sum3A_50 = arith.constant dense<0.000000e+00> : vector<128xf32>
    %reduce_sum3A_51 = vector.multi_reduction <add>, %integer_pow3A, %reduce_sum3A_50 [0] : vector<10000x128xf32> to vector<128xf32>
    %broadcast_in_dim3A_52 = vector.shape_cast %reduce_sum3A_51 : vector<128xf32> to vector<1x128xf32>
    %div3A_53 = arith.constant 1.000000e+04 : f32
    %div3A_54 = vector.broadcast %div3A_53 : f32 to vector<1x128xf32>
    %div3A_55 = arith.divf %broadcast_in_dim3A_52, %div3A_54 : vector<1x128xf32>
    %sub3A_56 = vector.broadcast %div3A_48 : vector<1x128xf32> to vector<10000x128xf32>
    %sub3A_57 = arith.subf %add3A_36, %sub3A_56 : vector<10000x128xf32>
    %mul3A = vector.broadcast %get3A_39 : vector<1x128xf32> to vector<10000x128xf32>
    %mul3A_58 = arith.mulf %mul3A, %sub3A_57 : vector<10000x128xf32>
    %add3A_59 = arith.constant 9.99999974E-6 : f32
    %add3A_60 = vector.broadcast %add3A_59 : f32 to vector<1x128xf32>
    %add3A_61 = arith.addf %div3A_55, %add3A_60 : vector<1x128xf32>
    %sqrt3A = math.sqrt %add3A_61 : vector<1x128xf32>
    %div3A_62 = vector.broadcast %sqrt3A : vector<1x128xf32> to vector<10000x128xf32>
    %div3A_63 = arith.divf %mul3A_58, %div3A_62 : vector<10000x128xf32>
    %add3A_64 = vector.broadcast %get3A_42 : vector<1x128xf32> to vector<10000x128xf32>
    %add3A_65 = arith.addf %div3A_63, %add3A_64 : vector<10000x128xf32>
    %max3A_66 = arith.constant 0.000000e+00 : f32
    %max3A_67 = vector.broadcast %max3A_66 : f32 to vector<10000x128xf32>
    %max3A_68 = arith.maximumf %add3A_65, %max3A_67 : vector<10000x128xf32>
    %swap3A = arith.constant 0 : index
    %swap3A_69 = arith.constant 0 : index
    %swap3A_70 = vector.load %arg9[%swap3A, %swap3A_69] : memref<10000x128xf32, #tpu.memory_space<vmem>>, vector<10000x128xf32>
    tpu.vector_store %arg9[%swap3A, %swap3A_69], %max3A_68 {strides = array<i32>} : memref<10000x128xf32, #tpu.memory_space<vmem>>, vector<10000x128xf32>,
    %broadcast_in_dim3A_71 = vector.shape_cast %max3A_12 : vector<10000xf32> to vector<10000x1xf32>
    %swap3A_72 = arith.constant 0 : index
    %swap3A_73 = arith.constant 0 : index
    %swap3A_74 = vector.load %arg10[%swap3A_72, %swap3A_73] : memref<10000x1xf32, #tpu.memory_space<vmem>>, vector<10000x1xf32>
    tpu.vector_store %arg10[%swap3A_72, %swap3A_73], %broadcast_in_dim3A_71 {strides = array<i32>} : memref<10000x1xf32, #tpu.memory_space<vmem>>, vector<10000x1xf32>,
    return
  }
}

module attributes {stable_mosaic.version = 14 : i64} {
  func.func @body(%arg0: memref<2x10112x128xf32, #tpu.memory_space<vmem>>, %arg1: memref<10000x1xf32, #tpu.memory_space<vmem>>, %arg2: memref<10000x128xf32, #tpu.memory_space<vmem>>, %arg3: memref<128x128xf32, #tpu.memory_space<vmem>>, %arg4: memref<1x128xf32, #tpu.memory_space<vmem>>, %arg5: memref<128x128xf32, #tpu.memory_space<vmem>>, %arg6: memref<1x128xf32, #tpu.memory_space<vmem>>, %arg7: memref<1x128xf32, #tpu.memory_space<vmem>>, %arg8: memref<1x128xf32, #tpu.memory_space<vmem>>, %arg9: memref<128x128xf32, #tpu.memory_space<vmem>>, %arg10: memref<1x128xf32, #tpu.memory_space<vmem>>, %arg11: memref<1x128xf32, #tpu.memory_space<vmem>>, %arg12: memref<1x128xf32, #tpu.memory_space<vmem>>, %arg13: memref<128x128xf32, #tpu.memory_space<vmem>>, %arg14: memref<1x128xf32, #tpu.memory_space<vmem>>, %arg15: memref<10000x1xi32, #tpu.memory_space<vmem>>, %arg16: memref<1x1xf32, #tpu.memory_space<vmem>>) attributes {dimension_semantics = [], scalar_prefetch = 0 : i64, scratch_operands = 0 : i64, tpu.core_type = #tpu.core_type<tc>} {
    %get3A = arith.constant 0 : index
    %get3A_0 = arith.constant 0 : index
    %get3A_1 = arith.constant 0 : index
    %get3A_2 = vector.load %arg0[%get3A, %get3A_0, %get3A_1] : memref<2x10112x128xf32, #tpu.memory_space<vmem>>, vector<2x10112x128xf32>
    %slice3A = vector.extract_strided_slice %get3A_2 {offsets = [0, 0, 0], sizes = [1, 10112, 128], strides = [1, 1, 1]} : vector<2x10112x128xf32> to vector<1x10112x128xf32>
    %squeeze3A = vector.shape_cast %slice3A : vector<1x10112x128xf32> to vector<10112x128xf32>
    %slice3A_3 = vector.extract_strided_slice %get3A_2 {offsets = [1, 0, 0], sizes = [1, 10112, 128], strides = [1, 1, 1]} : vector<2x10112x128xf32> to vector<1x10112x128xf32>
    %squeeze3A_4 = vector.shape_cast %slice3A_3 : vector<1x10112x128xf32> to vector<10112x128xf32>
    %add3A = arith.addf %squeeze3A, %squeeze3A_4 : vector<10112x128xf32>
    %slice3A_5 = vector.extract_strided_slice %add3A {offsets = [0, 0], sizes = [10000, 128], strides = [1, 1]} : vector<10112x128xf32> to vector<10000x128xf32>
    %get3A_6 = arith.constant 0 : index
    %get3A_7 = arith.constant 0 : index
    %get3A_8 = vector.load %arg1[%get3A_6, %get3A_7] : memref<10000x1xf32, #tpu.memory_space<vmem>>, vector<10000x1xf32>
    %div3A = vector.broadcast %get3A_8 : vector<10000x1xf32> to vector<10000x128xf32>
    %div3A_9 = arith.divf %slice3A_5, %div3A : vector<10000x128xf32>
    %get3A_10 = arith.constant 0 : index
    %get3A_11 = arith.constant 0 : index
    %get3A_12 = vector.load %arg3[%get3A_10, %get3A_11] : memref<128x128xf32, #tpu.memory_space<vmem>>, vector<128x128xf32>
    %dot_general3A = arith.constant dense<0.000000e+00> : vector<10000x128xf32>
    %dot_general3A_13 = tpu.matmul %div3A_9, %get3A_12, %dot_general3A {dimension_numbers = #tpu.dot_dimension_numbers<[1], [0], [0], [1], [0, 0, 1, 1], [], []>, transpose_lhs_hint = false} : vector<10000x128xf32>, vector<128x128xf32>, vector<10000x128xf32> -> vector<10000x128xf32>
    %get3A_14 = arith.constant 0 : index
    %get3A_15 = arith.constant 0 : index
    %get3A_16 = vector.load %arg2[%get3A_14, %get3A_15] : memref<10000x128xf32, #tpu.memory_space<vmem>>, vector<10000x128xf32>
    %get3A_17 = arith.constant 0 : index
    %get3A_18 = arith.constant 0 : index
    %get3A_19 = vector.load %arg5[%get3A_17, %get3A_18] : memref<128x128xf32, #tpu.memory_space<vmem>>, vector<128x128xf32>
    %dot_general3A_20 = arith.constant dense<0.000000e+00> : vector<10000x128xf32>
    %dot_general3A_21 = tpu.matmul %get3A_16, %get3A_19, %dot_general3A_20 {dimension_numbers = #tpu.dot_dimension_numbers<[1], [0], [0], [1], [0, 0, 1, 1], [], []>, transpose_lhs_hint = false} : vector<10000x128xf32>, vector<128x128xf32>, vector<10000x128xf32> -> vector<10000x128xf32>
    %add3A_22 = arith.addf %dot_general3A_13, %dot_general3A_21 : vector<10000x128xf32>
    %get3A_23 = arith.constant 0 : index
    %get3A_24 = arith.constant 0 : index
    %get3A_25 = vector.load %arg4[%get3A_23, %get3A_24] : memref<1x128xf32, #tpu.memory_space<vmem>>, vector<1x128xf32>
    %add3A_26 = vector.broadcast %get3A_25 : vector<1x128xf32> to vector<10000x128xf32>
    %add3A_27 = arith.addf %add3A_22, %add3A_26 : vector<10000x128xf32>
    %get3A_28 = arith.constant 0 : index
    %get3A_29 = arith.constant 0 : index
    %get3A_30 = vector.load %arg6[%get3A_28, %get3A_29] : memref<1x128xf32, #tpu.memory_space<vmem>>, vector<1x128xf32>
    %add3A_31 = vector.broadcast %get3A_30 : vector<1x128xf32> to vector<10000x128xf32>
    %add3A_32 = arith.addf %add3A_27, %add3A_31 : vector<10000x128xf32>
    %get3A_33 = arith.constant 0 : index
    %get3A_34 = arith.constant 0 : index
    %get3A_35 = vector.load %arg7[%get3A_33, %get3A_34] : memref<1x128xf32, #tpu.memory_space<vmem>>, vector<1x128xf32>
    %get3A_36 = arith.constant 0 : index
    %get3A_37 = arith.constant 0 : index
    %get3A_38 = vector.load %arg8[%get3A_36, %get3A_37] : memref<1x128xf32, #tpu.memory_space<vmem>>, vector<1x128xf32>
    %reduce_sum3A = arith.constant dense<0.000000e+00> : vector<128xf32>
    %reduce_sum3A_39 = vector.multi_reduction <add>, %add3A_32, %reduce_sum3A [0] : vector<10000x128xf32> to vector<128xf32>
    %broadcast_in_dim3A = vector.shape_cast %reduce_sum3A_39 : vector<128xf32> to vector<1x128xf32>
    %div3A_40 = arith.constant 1.000000e+04 : f32
    %div3A_41 = vector.broadcast %div3A_40 : f32 to vector<1x128xf32>
    %div3A_42 = arith.divf %broadcast_in_dim3A, %div3A_41 : vector<1x128xf32>
    %sub3A = vector.broadcast %div3A_42 : vector<1x128xf32> to vector<10000x128xf32>
    %sub3A_43 = arith.subf %add3A_32, %sub3A : vector<10000x128xf32>
    %integer_pow3A = arith.mulf %sub3A_43, %sub3A_43 : vector<10000x128xf32>
    %reduce_sum3A_44 = arith.constant dense<0.000000e+00> : vector<128xf32>
    %reduce_sum3A_45 = vector.multi_reduction <add>, %integer_pow3A, %reduce_sum3A_44 [0] : vector<10000x128xf32> to vector<128xf32>
    %broadcast_in_dim3A_46 = vector.shape_cast %reduce_sum3A_45 : vector<128xf32> to vector<1x128xf32>
    %div3A_47 = arith.constant 1.000000e+04 : f32
    %div3A_48 = vector.broadcast %div3A_47 : f32 to vector<1x128xf32>
    %div3A_49 = arith.divf %broadcast_in_dim3A_46, %div3A_48 : vector<1x128xf32>
    %sub3A_50 = vector.broadcast %div3A_42 : vector<1x128xf32> to vector<10000x128xf32>
    %sub3A_51 = arith.subf %add3A_32, %sub3A_50 : vector<10000x128xf32>
    %mul3A = vector.broadcast %get3A_35 : vector<1x128xf32> to vector<10000x128xf32>
    %mul3A_52 = arith.mulf %mul3A, %sub3A_51 : vector<10000x128xf32>
    %add3A_53 = arith.constant 9.99999974E-6 : f32
    %add3A_54 = vector.broadcast %add3A_53 : f32 to vector<1x128xf32>
    %add3A_55 = arith.addf %div3A_49, %add3A_54 : vector<1x128xf32>
    %sqrt3A = math.sqrt %add3A_55 : vector<1x128xf32>
    %div3A_56 = vector.broadcast %sqrt3A : vector<1x128xf32> to vector<10000x128xf32>
    %div3A_57 = arith.divf %mul3A_52, %div3A_56 : vector<10000x128xf32>
    %add3A_58 = vector.broadcast %get3A_38 : vector<1x128xf32> to vector<10000x128xf32>
    %add3A_59 = arith.addf %div3A_57, %add3A_58 : vector<10000x128xf32>
    %max3A = arith.constant 0.000000e+00 : f32
    %max3A_60 = vector.broadcast %max3A : f32 to vector<10000x128xf32>
    %max3A_61 = arith.maximumf %add3A_59, %max3A_60 : vector<10000x128xf32>
    %get3A_62 = arith.constant 0 : index
    %get3A_63 = arith.constant 0 : index
    %get3A_64 = vector.load %arg9[%get3A_62, %get3A_63] : memref<128x128xf32, #tpu.memory_space<vmem>>, vector<128x128xf32>
    %dot_general3A_65 = arith.constant dense<0.000000e+00> : vector<10000x128xf32>
    %dot_general3A_66 = tpu.matmul %max3A_61, %get3A_64, %dot_general3A_65 {dimension_numbers = #tpu.dot_dimension_numbers<[1], [0], [0], [1], [0, 0, 1, 1], [], []>, transpose_lhs_hint = false} : vector<10000x128xf32>, vector<128x128xf32>, vector<10000x128xf32> -> vector<10000x128xf32>
    %get3A_67 = arith.constant 0 : index
    %get3A_68 = arith.constant 0 : index
    %get3A_69 = vector.load %arg10[%get3A_67, %get3A_68] : memref<1x128xf32, #tpu.memory_space<vmem>>, vector<1x128xf32>
    %add3A_70 = vector.broadcast %get3A_69 : vector<1x128xf32> to vector<10000x128xf32>
    %add3A_71 = arith.addf %dot_general3A_66, %add3A_70 : vector<10000x128xf32>
    %get3A_72 = arith.constant 0 : index
    %get3A_73 = arith.constant 0 : index
    %get3A_74 = vector.load %arg11[%get3A_72, %get3A_73] : memref<1x128xf32, #tpu.memory_space<vmem>>, vector<1x128xf32>
    %get3A_75 = arith.constant 0 : index
    %get3A_76 = arith.constant 0 : index
    %get3A_77 = vector.load %arg12[%get3A_75, %get3A_76] : memref<1x128xf32, #tpu.memory_space<vmem>>, vector<1x128xf32>
    %reduce_sum3A_78 = arith.constant dense<0.000000e+00> : vector<128xf32>
    %reduce_sum3A_79 = vector.multi_reduction <add>, %add3A_71, %reduce_sum3A_78 [0] : vector<10000x128xf32> to vector<128xf32>
    %broadcast_in_dim3A_80 = vector.shape_cast %reduce_sum3A_79 : vector<128xf32> to vector<1x128xf32>
    %div3A_81 = arith.constant 1.000000e+04 : f32
    %div3A_82 = vector.broadcast %div3A_81 : f32 to vector<1x128xf32>
    %div3A_83 = arith.divf %broadcast_in_dim3A_80, %div3A_82 : vector<1x128xf32>
    %sub3A_84 = vector.broadcast %div3A_83 : vector<1x128xf32> to vector<10000x128xf32>
    %sub3A_85 = arith.subf %add3A_71, %sub3A_84 : vector<10000x128xf32>
    %integer_pow3A_86 = arith.mulf %sub3A_85, %sub3A_85 : vector<10000x128xf32>
    %reduce_sum3A_87 = arith.constant dense<0.000000e+00> : vector<128xf32>
    %reduce_sum3A_88 = vector.multi_reduction <add>, %integer_pow3A_86, %reduce_sum3A_87 [0] : vector<10000x128xf32> to vector<128xf32>
    %broadcast_in_dim3A_89 = vector.shape_cast %reduce_sum3A_88 : vector<128xf32> to vector<1x128xf32>
    %div3A_90 = arith.constant 1.000000e+04 : f32
    %div3A_91 = vector.broadcast %div3A_90 : f32 to vector<1x128xf32>
    %div3A_92 = arith.divf %broadcast_in_dim3A_89, %div3A_91 : vector<1x128xf32>
    %sub3A_93 = vector.broadcast %div3A_83 : vector<1x128xf32> to vector<10000x128xf32>
    %sub3A_94 = arith.subf %add3A_71, %sub3A_93 : vector<10000x128xf32>
    %mul3A_95 = vector.broadcast %get3A_74 : vector<1x128xf32> to vector<10000x128xf32>
    %mul3A_96 = arith.mulf %mul3A_95, %sub3A_94 : vector<10000x128xf32>
    %add3A_97 = arith.constant 9.99999974E-6 : f32
    %add3A_98 = vector.broadcast %add3A_97 : f32 to vector<1x128xf32>
    %add3A_99 = arith.addf %div3A_92, %add3A_98 : vector<1x128xf32>
    %sqrt3A_100 = math.sqrt %add3A_99 : vector<1x128xf32>
    %div3A_101 = vector.broadcast %sqrt3A_100 : vector<1x128xf32> to vector<10000x128xf32>
    %div3A_102 = arith.divf %mul3A_96, %div3A_101 : vector<10000x128xf32>
    %add3A_103 = vector.broadcast %get3A_77 : vector<1x128xf32> to vector<10000x128xf32>
    %add3A_104 = arith.addf %div3A_102, %add3A_103 : vector<10000x128xf32>
    %max3A_105 = arith.constant 0.000000e+00 : f32
    %max3A_106 = vector.broadcast %max3A_105 : f32 to vector<10000x128xf32>
    %max3A_107 = arith.maximumf %add3A_104, %max3A_106 : vector<10000x128xf32>
    %get3A_108 = arith.constant 0 : index
    %get3A_109 = arith.constant 0 : index
    %get3A_110 = vector.load %arg13[%get3A_108, %get3A_109] : memref<128x128xf32, #tpu.memory_space<vmem>>, vector<128x128xf32>
    %dot_general3A_111 = arith.constant dense<0.000000e+00> : vector<10000x128xf32>
    %dot_general3A_112 = tpu.matmul %max3A_107, %get3A_110, %dot_general3A_111 {dimension_numbers = #tpu.dot_dimension_numbers<[1], [0], [0], [1], [0, 0, 1, 1], [], []>, transpose_lhs_hint = false} : vector<10000x128xf32>, vector<128x128xf32>, vector<10000x128xf32> -> vector<10000x128xf32>
    %get3A_113 = arith.constant 0 : index
    %get3A_114 = arith.constant 0 : index
    %get3A_115 = vector.load %arg14[%get3A_113, %get3A_114] : memref<1x128xf32, #tpu.memory_space<vmem>>, vector<1x128xf32>
    %add3A_116 = vector.broadcast %get3A_115 : vector<1x128xf32> to vector<10000x128xf32>
    %add3A_117 = arith.addf %dot_general3A_112, %add3A_116 : vector<10000x128xf32>
    %reduce_max3A = arith.constant dense<0xFF800000> : vector<10000xf32>
    %reduce_max3A_118 = vector.multi_reduction <maximumf>, %add3A_117, %reduce_max3A [1] : vector<10000x128xf32> to vector<10000xf32>
    %broadcast_in_dim3A_119 = vector.shape_cast %reduce_max3A_118 : vector<10000xf32> to vector<10000x1xf32>
    %squeeze3A_120 = vector.shape_cast %broadcast_in_dim3A_119 : vector<10000x1xf32> to vector<10000xf32>
    %sub3A_121 = vector.broadcast %broadcast_in_dim3A_119 : vector<10000x1xf32> to vector<10000x128xf32>
    %sub3A_122 = arith.subf %add3A_117, %sub3A_121 : vector<10000x128xf32>
    %exp3A = math.exp %sub3A_122 : vector<10000x128xf32>
    %reduce_sum3A_123 = arith.constant dense<0.000000e+00> : vector<10000xf32>
    %reduce_sum3A_124 = vector.multi_reduction <add>, %exp3A, %reduce_sum3A_123 [1] : vector<10000x128xf32> to vector<10000xf32>
    %log3A = math.log %reduce_sum3A_124 : vector<10000xf32>
    %add3A_125 = arith.addf %squeeze3A_120, %log3A : vector<10000xf32>
    %iota3A = tpu.iota {dimensions = array<i32: 1>} : vector<10000x128xi32>
    %get3A_126 = arith.constant 0 : index
    %get3A_127 = arith.constant 0 : index
    %get3A_128 = vector.load %arg15[%get3A_126, %get3A_127] : memref<10000x1xi32, #tpu.memory_space<vmem>>, vector<10000x1xi32>
    %eq3A = vector.broadcast %get3A_128 : vector<10000x1xi32> to vector<10000x128xi32>
    %eq3A_129 = arith.cmpi eq, %iota3A, %eq3A : vector<10000x128xi32>
    %jit3A = arith.constant 0.000000e+00 : f32
    %broadcast_in_dim3A_130 = vector.broadcast %jit3A : f32 to vector<10000x128xf32>
    %select_n3A = arith.select %eq3A_129, %add3A_117, %broadcast_in_dim3A_130 : vector<10000x128xi1>, vector<10000x128xf32>
    %reduce_sum3A_131 = arith.constant dense<0.000000e+00> : vector<10000xf32>
    %reduce_sum3A_132 = vector.multi_reduction <add>, %select_n3A, %reduce_sum3A_131 [1] : vector<10000x128xf32> to vector<10000xf32>
    %sub3A_133 = arith.subf %add3A_125, %reduce_sum3A_132 : vector<10000xf32>
    %reduce_sum3A_134 = vector.shape_cast %sub3A_133 : vector<10000xf32> to vector<1x10000xf32>
    %reduce_sum3A_135 = arith.constant dense<0.000000e+00> : vector<1xf32>
    %reduce_sum3A_136 = vector.multi_reduction <add>, %reduce_sum3A_134, %reduce_sum3A_135 [1] : vector<1x10000xf32> to vector<1xf32>
    %reduce_sum3A_137 = vector.shape_cast %reduce_sum3A_136 : vector<1xf32> to vector<1x1xf32>
    %reduce_sum3A_138 = vector.extract %reduce_sum3A_137[0, 0] : f32 from vector<1x1xf32>
    %div3A_139 = arith.constant 1.000000e+04 : f32
    %div3A_140 = arith.divf %reduce_sum3A_138, %div3A_139 : f32
    %reshape3A = vector.broadcast %div3A_140 : f32 to vector<1x1xf32>
    %swap3A = arith.constant 0 : index
    %swap3A_141 = arith.constant 0 : index
    %swap3A_142 = vector.load %arg16[%swap3A, %swap3A_141] : memref<1x1xf32, #tpu.memory_space<vmem>>, vector<1x1xf32>
    tpu.vector_store %arg16[%swap3A, %swap3A_141], %reshape3A {strides = array<i32>} : memref<1x1xf32, #tpu.memory_space<vmem>>, vector<1x1xf32>,
    return
  }
}

</mosaic_0001>

<sc_bundles>
// kernel: kernel.6.cloned.1.call-start
scs
__scs_entry_jumppad:
0x0: {  	(pc) =	sbr.rel $0x88, $3  }
0x1: {  	(tag) =	ssettag $0x0;
	lr =	simm.s32 $0x1  }
0x2: {  	[smem:$0x3F8C] =	sst lr;
	_ =	strace $0xD0000000  }
0x3: {  	_ = 	snop  }
0x4: {  	_ = 	snop  }
0x5: {  	_ = 	snop  }
0x6: {  	_ = 	snop  }
0x7: {  	_ = 	snop  }
__scs_overlays_trampoline_lowered:
0x8: {  	[smem:$0x3F9B] =	sst s0  }
0x9: {  	[smem:$0x3F9C] =	sst s1  }
0xa: {  	[smem:$0x3F9D] =	sst s2  }
0xb: {  	[smem:$0x3F9E] =	sst s3  }
0xc: {  	[smem:$0x3F9F] =	sst s4  }
0xd: {  	[smem:$0x3FA0] =	sst s5  }
0xe: {  	[smem:$0x3FA1] =	sst s6  }
0xf: {  	[smem:$0x3FA2] =	sst s7  }
0x10: {  	[smem:$0x3FA3] =	sst s8  }
0x11: {  	[smem:$0x3FA4] =	sst s9;
	s0 =	simm.s32 @!p0 $0x0  }
0x12: {  	s1 =	sld [smem:$0x3F8A];
	s0 =	simm.s32 @p0 $0x1  }
0x13: {  	[smem:$0x3FA5] =	sst s0;
	s0 =	simm.s32 @!p1 $0x0  }
0x14: {  	s2 =	sld [smem:$0x3F89];
	s0 =	simm.s32 @p1 $0x1  }
0x15: {  	[smem:$0x3FA6] =	sst s0;
	s0 =	simm.s32 @!p2 $0x0  }
0x16: {  	s3 =	sld [smem:$0x3FDB];
	s0 =	simm.s32 @p2 $0x1  }
0x17: {  	s4 =	simm.s32 $0x1BF5;
	[smem:$0x3FA8] =	sst s0  }
0x18: {  	s0 =	sld [smem:$0x3F8B];
	_ =	swait.ge [sflag:s4], $0x0  }
0x19: {  	s7 =	sld [smem:$0x3F8C]  }
0x1a: {  	s8 =	sadd.s32 $0xFFFFE003, lr  }
0x1b: {  	s9 =	sadd.s32 $0xFFFFFEF7, lr;
	s5 =	simm.s32 $0xFFFFFFFF;
	p2 =	slt.u32 s8, $0xFFFFF086  }
0x1c: {  	p1 =	slt.u32 s9, $0xF7A;
	s5 =	simm.s32 @!p2 $0x0  }
0x1d: {  	s5 =	simm.s32 @p1 $0x1;
	p0 =	seq.s32 s7, s2  }
0x1e: {  	s7 =	smul.u32 @!p0 $0xF7A, s2;
	p2 =	seq.s32 @!p0 s5, $0x0  }
0x1f: {  	s9 =	smul.u32 $0xF7A, s1;
	s8 =	simm.s32 @!p0 $0x1BF5;
	p2 =	por !p2, p0  }
0x20: {  	[sflag:s8] =	ssyncset.s32 @!p0 $0xFFFFF086;
	s6 =	sadd.s32 @!p0 s3, s7;
	s7 =	simm.s32 @!p0 $0x108  }
0x21: {  	s3 =	sadd.s32 s3, s9;
	s6 =	sadd.s32 @!p0 $0x88, s6;
	s7 =	simm.s32 @p2 $0x1082  }
0x22: {  	[simem:s7], [sflag:s8] =	dma.local @!p0 [hbm:s6], $0xF7A  }
0x23: {  	s9 =	sor.u32 $0xD0000000, s2;
	s6 =	simm.s32 $0x108;
	_ =	swait.ge @!p0 [sflag:s8], $0x0  }
0x24: {  	s3 =	sadd.s32 $0x88, s3;
	s6 =	simm.s32 @!p1 $0x1082;
	[sflag:s4] =	ssyncset.s32 $0xFFFFF086  }
0x25: {  	[simem:s6], [sflag:s4] =	dma.local [hbm:s3], $0xF7A  }
0x26: {  	[smem:$0x3F8C] =	sst s1;
	(tag) =	ssettag s2;
	_ =	strace s9  }
0x27: {  	s1 =	sld [smem:$0x3F9C]  }
0x28: {  	s2 =	sld [smem:$0x3F9D]  }
0x29: {  	s4 =	sld [smem:$0x3F9F]  }
0x2a: {  	p0 =	seq.s32 s5, $0x0;
	s5 =	sld [smem:$0x3FA0]  }
0x2b: {  	s6 =	sld [smem:$0x3FA1]  }
0x2c: {  	s7 =	sld [smem:$0x3FA2]  }
0x2d: {  	s3 =	simm.s32 $0x108;
	s8 =	sld [smem:$0x3FA3]  }
0x2e: {  	s3 =	simm.s32 @!p0 $0x1082;
	s9 =	sld [smem:$0x3FA4]  }
0x2f: {  	lr =	sadd.s32 s0, s3;
	s0 =	sld [smem:$0x3F9B]  }
0x30: {  	s3 =	sld [smem:$0x3F9E]  }
0x31: {  	[smem:$0x3FA7] =	sst s10  }
0x32: {  	s10 =	sld [smem:$0x3FA5];
	_ =	sdelay $0x3  }
0x33: {  	p0 =	seq.s32 s10, $0x1;
	s10 =	sld [smem:$0x3FA7];
	_ =	sdelay $0x3  }
0x34: {  	[smem:$0x3FA7] =	sst s10  }
0x35: {  	s10 =	sld [smem:$0x3FA6];
	_ =	sdelay $0x3  }
0x36: {  	p1 =	seq.s32 s10, $0x1;
	s10 =	sld [smem:$0x3FA7];
	_ =	sdelay $0x3  }
0x37: {  	[smem:$0x3FA7] =	sst s10  }
0x38: {  	s10 =	sld [smem:$0x3FA8]  }
0x39: {  	_ = 	snop;
	(pc) =	sbr.ind lr, $3  }
0x3a: {  	_ = 	snop  }
0x3b: {  	_ = 	snop  }
0x3c: {  	p2 =	seq.s32 s10, $0x1;
	s10 =	sld [smem:$0x3FA7]  }
0x3d: {  	_ =	shalt  }
0x3e: {  	_ =	shalt  }
0x3f: {  	_ =	shalt  }
0x40: {  	_ =	shalt  }
0x41: {  	_ =	shalt  }
0x42: {  	_ =	shalt  }
0x43: {  	_ =	shalt  }
0x44: {  	_ =	shalt  }
0x45: {  	_ =	shalt  }
0x46: {  	_ =	shalt  }
0x47: {  	_ =	shalt  }
0x48: {  	_ =	shalt  }
0x49: {  	_ =	shalt  }
0x4a: {  	_ =	shalt  }
0x4b: {  	_ =	shalt  }
0x4c: {  	_ =	shalt  }
0x4d: {  	_ =	shalt  }
0x4e: {  	_ =	shalt  }
0x4f: {  	_ =	shalt  }
0x50: {  	_ =	shalt  }
0x51: {  	_ =	shalt  }
0x52: {  	_ =	shalt  }
0x53: {  	_ =	shalt  }
0x54: {  	_ =	shalt  }
0x55: {  	_ =	shalt  }
0x56: {  	_ =	shalt  }
0x57: {  	_ =	shalt  }
0x58: {  	_ =	shalt  }
0x59: {  	_ =	shalt  }
0x5a: {  	_ =	shalt  }
0x5b: {  	_ =	shalt  }
0x5c: {  	_ =	shalt  }
0x5d: {  	_ =	shalt  }
0x5e: {  	_ =	shalt  }
0x5f: {  	_ =	shalt  }
0x60: {  	_ =	shalt  }
0x61: {  	_ =	shalt  }
0x62: {  	_ =	shalt  }
0x63: {  	_ =	shalt  }
0x64: {  	_ =	shalt  }
0x65: {  	_ =	shalt  }
0x66: {  	_ =	shalt  }
0x67: {  	_ =	shalt  }
0x68: {  	_ =	shalt  }
0x69: {  	_ =	shalt  }
0x6a: {  	_ =	shalt  }
0x6b: {  	_ =	shalt  }
0x6c: {  	_ =	shalt  }
0x6d: {  	_ =	shalt  }
0x6e: {  	_ =	shalt  }
0x6f: {  	_ =	shalt  }
0x70: {  	_ =	shalt  }
0x71: {  	_ =	shalt  }
0x72: {  	_ =	shalt  }
0x73: {  	_ =	shalt  }
0x74: {  	_ =	shalt  }
0x75: {  	_ =	shalt  }
0x76: {  	_ =	shalt  }
0x77: {  	_ =	shalt  }
0x78: {  	_ =	shalt  }
0x79: {  	_ =	shalt  }
0x7a: {  	_ =	shalt  }
0x7b: {  	_ =	shalt  }
0x7c: {  	_ =	shalt  }
0x7d: {  	_ =	shalt  }
0x7e: {  	_ =	shalt  }
0x7f: {  	_ =	shalt  }
0x80: {  	_ =	shalt  }
0x81: {  	_ =	shalt  }
0x82: {  	_ =	shalt  }
0x83: {  	_ =	shalt  }
0x84: {  	_ =	shalt  }
0x85: {  	_ =	shalt  }
0x86: {  	_ =	shalt  }
0x87: {  	_ =	shalt  }
.Lfunc_end0:
.L_simem_size_0:
called_computation_lowered:
.L_overlay_start_0:
0x88: {  	s2 =	sld [smem:$0x3FD9]  }
0x89: {  	s3 =	sld [smem:$0x3FFE];
	_ =	sdelay $0x1  }
0x8a: {  	s1 =	srdreg.scid  }
0x8b: {  	s0 =	sand.u32 $0x1, s1  }
0x8c: {  	s17 =	sshll.u32 s0, $0xA;
	s2 =	sadd.s32 s3, s2  }
0x8d: {  	s2 =	sadd.s32 s2, s17  }
0x8e: {  	[smem:$0x3FB3] =	sst s2  }
0x8f: {  	_ = 	snop  }
0x90: {  	s2 =	sld [smem:$0x3FC9];
	(tm) =	ssettm $0x1  }
0x91: {  	s18 =	sld [smem:$0x3FFB];
	_ =	sdelay $0x3  }
0x92: {  	_ =	strace s18  }
0x93: {  	s3 =	sld [smem:$0x3FFC];
	_ =	sdelay $0x3  }
0x94: {  	_ =	strace s3  }
0x95: {  	s3 =	sld [smem:$0x3FFD];
	_ =	sdelay $0x3  }
0x96: {  	_ =	strace s3  }
0x97: {  	_ =	strace $0x8FFFFFFF  }
0x98: {  	s19 =	sld [smem:$0x3FDB];
	_ =	sdelay $0x1  }
0x99: {  	s4 =	simm.s32 $_scs_section_size  }
0x9a: {  	s5 =	simm.s32 $_size__tile_overlayer_lowered;
	s6 =	simm.s32 $_tile_overlayer_lowered  }
0x9b: {  	s22 =	simm.s32 $0x1BFF;
	s21 =	sshll.u32 s6, $0x1;
	s3 =	sadd.s32 s4, s19  }
0x9c: {  	s7 =	simm.s32 $0x0;
	s20 =	sshll.u32 s5, $0x1;
	s5 =	sadd.s32 s21, s3  }
0x9d: {  	[timem:s7], [sflag:s22] =	dma.local [hbm:s5], s20  }
0x9e: {  	_ =	swait.ge [sflag:s22], s20  }
0x9f: {  	s4 =	ssub.s32 $0x0, s20;
	[sflag:s22] =	ssyncset.done $0x0  }
0xa0: {  	[sflag:s22] =	ssyncadd.s32 s4;
	_ =	sdelay $0x1  }
0xa1: {  	s23 =	simm.s32 $0x1B8B  }
0xa2: {  	_ =	swait.ge [sflag:s23], $0x1  }
0xa3: {  	[sflag:s23] =	ssyncset.done $0x0  }
0xa4: {  	s25 =	simm.s32 $0x1B8E;
	s24 =	sld [smem:$0x3FFE];
	[sflag:s23] =	ssyncadd.s32 $0xFFFFFFFF  }
0xa5: {  	s26 =	simm.s32 $execute0_lowered;
	[smem:$0x3FD2] =	sst s25  }
0xa6: {  	s5 =	sshll.u32 s26, $0x1;
	_ =	strace $0x80000046;
	[dreg:$0x1] =	wrdreg $0xFFFFFFFF  }
0xa7: {  	s28 =	simm.s32 $_size_execute0_lowered;
	s3 =	sadd.s32 s3, s5;
	[dreg:$0x0] =	wrdreg $0x0  }
0xa8: {  	s5 =	sshll.u32 s28, $0x1;
	[dreg:$0x2] =	wrdreg s3  }
0xa9: {  	[dreg:$0x3] =	wrdreg s5  }
0xaa: {  	[dreg:$0x4] =	wrdreg $0xC0  }
0xab: {  	_ =	task [dreg:s7], $0x5FFFF  }
0xac: {  	[dreg:$0x1] =	wrdreg $0xFFFFFFFF  }
0xad: {  	[dreg:$0x0] =	wrdreg $0x60  }
0xae: {  	[dreg:$0x2] =	wrdreg s2  }
0xaf: {  	[dreg:$0x3] =	wrdreg s24  }
0xb0: {  	[dreg:$0x4] =	wrdreg $0x0  }
0xb1: {  	[dreg:$0x5] =	wrdreg $0x9  }
0xb2: {  	_ =	task.clear_ibuf [dreg:s7], $0x6FFFF;
	_ =	strace $0x90000046  }
0xb3: {  	s29 =	simm.s32 $0x9;
	_ =	strace $0x80000048  }
0xb4: {  	_ =	swait.ge [sflag:s29], $0x1  }
0xb5: {  	[sflag:s29] =	ssyncadd.s32 $0xFFFFFFFF  }
0xb6: {  	_ =	strace $0x90000048  }
0xb7: {  	_ =	sfence  }
0xb8: {  	s30 =	sld [smem:$0x0];
	_ =	sdelay $0x2  }
0xb9: {  	s31 =	sshll.u32 s1, $0xD;
	s1 =	sshrl.u32 s1, $0x2  }
0xba: {  	s3 =	sand.u32 $0x4000, s31;
	s1 =	sadd.s32 s1, s30  }
0xbb: {  	s0 =	sor.u32 s3, s0;
	s1 =	sshll.u32 s1, $0x11  }
0xbc: {  	s0 =	sor.u32 s1, s0  }
0xbd: {  	s0 =	sadd.s32 $0x8F2B, s0  }
0xbe: {  	[sflag:s0] =	ssyncadd.remote.s32 $0x1  }
0xbf: {  	_ =	sfence.sel $0xFFFF  }
0xc0: {  	[dreg:$0x0] =	wrdreg $0xFFFFFFFF;
	(pc) =	sbr.abs _section_cstart, $3  }
0xc1: {  	[dreg:$0x1] =	wrdreg $0xFFFFFFFF  }
0xc2: {  	_ =	task.clear_ibuf [dreg:s7], $0x2FFFF;
	_ =	strace $0x9FFFFFFF  }
0xc3: {  	(tm) =	ssettm $0x7FFFFFFF  }
tec
execute0_lowered:
.L_overlay_start_1:
0x0: {  	(tag) =	ssettag $0x1  }
0x1: {  	s2 =	rddreg [dreg:$0x0]  }
0x2: {  	s6 =	rddreg [dreg:$0x1]  }
0x3: {  	s3 =	rddreg [dreg:$0x2]  }
0x4: {  	s0 =	stileid.u32;
	s4 =	srdreg.scid  }
0x5: {  	s1 =	rddreg [dreg:$0x3];
	s11 =	simm.s32 $0x58;
	s22 =	simm.s32 $0x13C00  }
0x6: {  	s23 =	simm.s32 $0x80;
	s24 =	simm.s32 $0x1D400;
	s5 =	smul.u32 $0x45, s0  }
0x7: {  	s25 =	simm.s32 $0x400;
	s8 =	sand.u32 $0x1, s4;
	s7 =	smul.u32 $0x58, s0  }
0x8: {  	s4 =	simm.s32 $0x0;
	s26 =	sshrl.u32 s0, $0x2;
	s28 =	smul.u32 $0x4F000, s0  }
0x9: {  	s9 =	sshll.u32 s0, $0x8;
	s13 =	smul.u32 $0x13C00, s0;
	s17 =	sadd.s32 $0x22400, s6  }
0xa: {  	p0 =	seq.s32 s8, $0x0;
	[smem:$0x7FF] =	sst s4;
	s10 =	sshll.u32 s8, $0x7  }
0xb: {  	s9 =	sand.u32 $0x300, s9;
	s29 =	ssub.s32 $0x2, s8;
	s21 =	smul.u32 $0x13C000, s8  }
0xc: {  	s5 =	sadd.s32 $0x580, s5;
	_ =	strace $0x80000047;
	s9 =	sor.u32 s10, s9  }
0xd: {  	s30 =	sshrl.u32 s29, $0x1;
	s31 =	sshrl.u32 s28, $0x2;
	s14 =	sadd.s32 $0x4000, s13  }
0xe: {  	s15 =	sadd.s32 $0x8000, s13;
	s16 =	sadd.s32 $0xC000, s13;
	s20 =	sadd.s32 $0x10000, s13  }
0xf: {  	s11 =	simm.s32 @!p0 $0x45;
	s5 =	smov.u32 @p0 s7;
	s7 =	smul.u32 $0x13C00, s26  }
0x10: {  	s19 =	ssub.s32 s29, s30;
	s8 =	sadd.s32 s15, s3;
	s10 =	sadd.s32 s20, s3  }
0x11: {  	s13 =	sadd.s32 s13, s21;
	s15 =	sadd.s32 s21, s15;
	s20 =	sadd.s32 s21, s20  }
0x12: {  	s26 =	simm.s32 $0x0;
	s5 =	sshll.u32 s5, $0x5;
	s13 =	sshrl.u32 s13, $0x3  }
0x13: {  	s15 =	sshrl.u32 s15, $0x3;
	s20 =	sshrl.u32 s20, $0x3;
	s19 =	smax.u32 s19, $0x1  }
0x14: {  	s12 =	sadd.s32 s5, s6;
	s5 =	sadd.s32 $0x17E00, s6;
	s7 =	sor.u32 s7, s9  }
0x15: {  	s9 =	sadd.s32 s16, s3;
	s13 =	sadd.s32 s17, s13;
	s16 =	sadd.s32 s21, s16  }
0x16: {  	s15 =	sadd.s32 s17, s15;
	s7 =	sshrl.u32 s7, $0x3;
	s12 =	sadd.s32 $0x4000, s12  }
0x17: {  	s16 =	sshrl.u32 s16, $0x3;
	s18 =	sadd.s32 s7, s6;
	s6 =	sadd.s32 s31, s3  }
0x18: {  	s7 =	sadd.s32 s14, s3;
	s14 =	sadd.s32 s21, s14;
	s16 =	sadd.s32 s17, s16  }
0x19: {  	s21 =	simm.s32 $0x1;
	s14 =	sshrl.u32 s14, $0x3;
	s18 =	sadd.s32 $0x18600, s18  }
0x1a: {  	v0 =	vimm.f32 $0.0e+00;
	v1 =	vimm.f32 $1.000000000e+00;
	s14 =	sadd.s32 s17, s14;
	s17 =	sadd.s32 s17, s20;
	s20 =	simm.s32 $0x19400  }
.LBB2_1:
0x1b: {  	[tilespmem:s20], [sflag:$0x1] =	stream.linear.gather [hbm4b:s5+s4], $0x4000, $0x38;
	[tilespmem:$0x1FB80] =	vst v63  }
0x1c: {  	_ =	swait.ge [sflag:s21], $0x4000  }
0x1d: {  	[sflag:s21] =	ssyncset.done $0x0  }
0x1e: {  	[sflag:s21] =	ssyncadd.s32 $0xFFFFC000  }
0x1f: {  	[spmem:s6] =	stream.linear.scatter [tilespmem:s20], [sflag:$0x1], $0x4000, $0x38;
	[tilespmem:$0x1FB80] =	vst v63  }
0x20: {  	_ =	swait.ge [sflag:s21], $0x4000  }
0x21: {  	[sflag:s21] =	ssyncset.done $0x0  }
0x22: {  	[sflag:s21] =	ssyncadd.s32 $0xFFFFC000  }
0x23: {  	[spmem:s7] =	stream.linear.scatter [tilespmem:s20], [sflag:$0x1], $0x4000, $0x38;
	[tilespmem:$0x1FB80] =	vst v63  }
0x24: {  	_ =	swait.ge [sflag:s21], $0x4000  }
0x25: {  	[sflag:s21] =	ssyncset.done $0x0  }
0x26: {  	[sflag:s21] =	ssyncadd.s32 $0xFFFFC000  }
0x27: {  	[spmem:s8] =	stream.linear.scatter [tilespmem:s20], [sflag:$0x1], $0x4000, $0x38;
	[tilespmem:$0x1FB80] =	vst v63  }
0x28: {  	_ =	swait.ge [sflag:s21], $0x4000  }
0x29: {  	[sflag:s21] =	ssyncset.done $0x0  }
0x2a: {  	[sflag:s21] =	ssyncadd.s32 $0xFFFFC000  }
0x2b: {  	[spmem:s9] =	stream.linear.scatter [tilespmem:s20], [sflag:$0x1], $0x4000, $0x38;
	[tilespmem:$0x1FB80] =	vst v63  }
0x2c: {  	_ =	swait.ge [sflag:s21], $0x4000  }
0x2d: {  	[sflag:s21] =	ssyncset.done $0x0  }
0x2e: {  	[sflag:s21] =	ssyncadd.s32 $0xFFFFC000  }
0x2f: {  	[spmem:s10] =	stream.linear.scatter [tilespmem:s20], [sflag:$0x1], $0x3C00, $0x38;
	[tilespmem:$0x1FB80] =	vst v63  }
0x30: {  	_ =	swait.ge [sflag:s21], $0x3C00  }
0x31: {  	[sflag:s21] =	ssyncset.done $0x0  }
0x32: {  	s28 =	simm.s32 $0x40;
	s29 =	simm.s32 $0x0;
	[sflag:s21] =	ssyncadd.s32 $0xFFFFC400  }
.LBB2_2:
0x33: {  	p0 =	sne.s32 s28, $0x9DC0;
	[tilespmem:s29+$0x1D400] =	vst v0;
	s29 =	smov.u32 s28;
	s28 =	sadd.s32 $0x40, s28  }
.Ltmp0:
0x34: {  	(pc) =	sbr.rel @p0 .LBB2_2-.Ltmp0, $2  }
0x35: {  	_ =	sdelay $0x2  }
0x36: {  	s29 =	sshra.s32 s29, $0x2  }
0x37: {  	[tilespmem:s29+$0x1D400] =	vst v0  }
0x38: {  	[bflag:$0x0] =	sbarrier.arrive $0xFFFF  }
0x39: {  	[tilespmem:s22], [sflag:$0x1] =	stream.linear.gather [hbm4b:s12+s4], $0x5800, $0x38;
	[tilespmem:$0x1FB80] =	vst v63  }
0x3a: {  	_ =	swait.ge [sflag:s21], $0x5800  }
0x3b: {  	[sflag:s21] =	ssyncset.done $0x0  }
0x3c: {  	s28 =	simm.s32 $0x13C80;
	s29 =	smov.u32 s11;
	[sflag:s21] =	ssyncadd.s32 $0xFFFFA800  }
.LBB2_4:
0x3d: {  	s30 =	sadd.s32 $0xFFFFFF80, s28  }
0x3e: {  	[tilespmem:s20], [sflag:$0x1] =	stream.indirect.gather [hbm4b:s2+s23], $0x80, s30, s23, $0xb8;
	[tilespmem:$0x1FB80] =	vst v63  }
0x3f: {  	_ =	swait.ge [sflag:s21], $0x4000  }
0x40: {  	[sflag:s21] =	ssyncset.done $0x0  }
0x41: {  	[sflag:s21] =	ssyncadd.s32 $0xFFFFC000  }
0x42: {  	[spmem:s3] =	stream.indirect.scatter.add.f32 [tilespmem:s20], [sflag:$0x1], $0x80, s28, s23, $0xb8;
	[tilespmem:$0x1FB80] =	vst v63  }
0x43: {  	_ =	swait.ge [sflag:s21], $0x4000  }
0x44: {  	[sflag:s21] =	ssyncset.done $0x0  }
0x45: {  	[sflag:s21] =	ssyncadd.s32 $0xFFFFC000  }
0x46: {  	v2 =	vld [tilespmem:s28+$0x0];
	_ =	sdelay $0x7  }
0x47: {  	[tilespmem:v2+s24+$0x0] =	vst.idx.add.f32.msk $0xffff, v1  }
0x48: {  	v2 =	vld [tilespmem:s28+$0x10];
	_ =	sdelay $0x7  }
0x49: {  	[tilespmem:v2+s24+$0x0] =	vst.idx.add.f32.msk $0xffff, v1  }
0x4a: {  	v2 =	vld [tilespmem:s28+$0x20];
	_ =	sdelay $0x7  }
0x4b: {  	[tilespmem:v2+s24+$0x0] =	vst.idx.add.f32.msk $0xffff, v1  }
0x4c: {  	v2 =	vld [tilespmem:s28+$0x30];
	_ =	sdelay $0x7  }
0x4d: {  	[tilespmem:v2+s24+$0x0] =	vst.idx.add.f32.msk $0xffff, v1  }
0x4e: {  	v2 =	vld [tilespmem:s28+$0x40];
	_ =	sdelay $0x7  }
0x4f: {  	[tilespmem:v2+s24+$0x0] =	vst.idx.add.f32.msk $0xffff, v1  }
0x50: {  	v2 =	vld [tilespmem:s28+$0x50];
	_ =	sdelay $0x7  }
0x51: {  	[tilespmem:v2+s24+$0x0] =	vst.idx.add.f32.msk $0xffff, v1  }
0x52: {  	v2 =	vld [tilespmem:s28+$0x60];
	_ =	sdelay $0x7  }
0x53: {  	[tilespmem:v2+s24+$0x0] =	vst.idx.add.f32.msk $0xffff, v1  }
0x54: {  	v2 =	vld [tilespmem:s28+$0x70];
	_ =	sdelay $0x2  }
0x55: {  	p0 =	sne.s32 s29, $0x1  }
.Ltmp1:
0x56: {  	_ = 	snop;
	(pc) =	sbr.rel @p0 .LBB2_4-.Ltmp1, $2  }
0x57: {  	_ =	sdelay $0x2  }
0x58: {  	s29 =	sadd.s32 $0xFFFFFFFF, s29;
	s28 =	sadd.s32 $0x100, s28;
	[tilespmem:v2+s24+$0x0] =	vst.idx.add.f32.msk $0xffff, v1  }
0x59: {  	[bflag:$0x0] =	sbarrier.arrive $0xFFFF  }
0x5a: {  	[tilespmem:s20], [sflag:$0x1] =	stream.linear.gather [spmem:s6], $0x4000, $0x38;
	[tilespmem:$0x1FB80] =	vst v63  }
0x5b: {  	_ =	swait.ge [sflag:s21], $0x4000  }
0x5c: {  	[sflag:s21] =	ssyncset.done $0x0  }
0x5d: {  	[sflag:s21] =	ssyncadd.s32 $0xFFFFC000  }
0x5e: {  	[hbm4b:s13+s4] =	stream.linear.scatter [tilespmem:s20], [sflag:$0x1], $0x4000, $0x38;
	[tilespmem:$0x1FB80] =	vst v63  }
0x5f: {  	_ =	swait.ge [sflag:s21], $0x4000  }
0x60: {  	[sflag:s21] =	ssyncset.done $0x0  }
0x61: {  	[sflag:s21] =	ssyncadd.s32 $0xFFFFC000  }
0x62: {  	[tilespmem:s20], [sflag:$0x1] =	stream.linear.gather [spmem:s7], $0x4000, $0x38;
	[tilespmem:$0x1FB80] =	vst v63  }
0x63: {  	_ =	swait.ge [sflag:s21], $0x4000  }
0x64: {  	[sflag:s21] =	ssyncset.done $0x0  }
0x65: {  	[sflag:s21] =	ssyncadd.s32 $0xFFFFC000  }
0x66: {  	[hbm4b:s14+s4] =	stream.linear.scatter [tilespmem:s20], [sflag:$0x1], $0x4000, $0x38;
	[tilespmem:$0x1FB80] =	vst v63  }
0x67: {  	_ =	swait.ge [sflag:s21], $0x4000  }
0x68: {  	[sflag:s21] =	ssyncset.done $0x0  }
0x69: {  	[sflag:s21] =	ssyncadd.s32 $0xFFFFC000  }
0x6a: {  	[tilespmem:s20], [sflag:$0x1] =	stream.linear.gather [spmem:s8], $0x4000, $0x38;
	[tilespmem:$0x1FB80] =	vst v63  }
0x6b: {  	_ =	swait.ge [sflag:s21], $0x4000  }
0x6c: {  	[sflag:s21] =	ssyncset.done $0x0  }
0x6d: {  	[sflag:s21] =	ssyncadd.s32 $0xFFFFC000  }
0x6e: {  	[hbm4b:s15+s4] =	stream.linear.scatter [tilespmem:s20], [sflag:$0x1], $0x4000, $0x38;
	[tilespmem:$0x1FB80] =	vst v63  }
0x6f: {  	_ =	swait.ge [sflag:s21], $0x4000  }
0x70: {  	[sflag:s21] =	ssyncset.done $0x0  }
0x71: {  	[sflag:s21] =	ssyncadd.s32 $0xFFFFC000  }
0x72: {  	[tilespmem:s20], [sflag:$0x1] =	stream.linear.gather [spmem:s9], $0x4000, $0x38;
	[tilespmem:$0x1FB80] =	vst v63  }
0x73: {  	_ =	swait.ge [sflag:s21], $0x4000  }
0x74: {  	[sflag:s21] =	ssyncset.done $0x0  }
0x75: {  	[sflag:s21] =	ssyncadd.s32 $0xFFFFC000  }
0x76: {  	[hbm4b:s16+s4] =	stream.linear.scatter [tilespmem:s20], [sflag:$0x1], $0x4000, $0x38;
	[tilespmem:$0x1FB80] =	vst v63  }
0x77: {  	_ =	swait.ge [sflag:s21], $0x4000  }
0x78: {  	[sflag:s21] =	ssyncset.done $0x0  }
0x79: {  	[sflag:s21] =	ssyncadd.s32 $0xFFFFC000  }
0x7a: {  	[tilespmem:s20], [sflag:$0x1] =	stream.linear.gather [spmem:s10], $0x3C00, $0x38;
	[tilespmem:$0x1FB80] =	vst v63  }
0x7b: {  	_ =	swait.ge [sflag:s21], $0x3C00  }
0x7c: {  	[sflag:s21] =	ssyncset.done $0x0  }
0x7d: {  	[sflag:s21] =	ssyncadd.s32 $0xFFFFC400  }
0x7e: {  	[hbm4b:s17+s4] =	stream.linear.scatter [tilespmem:s20], [sflag:$0x1], $0x3C00, $0x38;
	[tilespmem:$0x1FB80] =	vst v63  }
0x7f: {  	s26 =	sadd.s32 $0x1, s26;
	_ =	swait.ge [sflag:s21], $0x3C00  }
0x80: {  	p0 =	sne.s32 s26, s19;
	[sflag:s21] =	ssyncset.done $0x0  }
.Ltmp2:
0x81: {  	[sflag:s21] =	ssyncadd.s32 $0xFFFFC400;
	(pc) =	sbr.rel @p0 .LBB2_1-.Ltmp2, $4  }
0x82: {  	[hbm4b:s18+s23] =	stream.strided.scatter [tilespmem:s24], [sflag:$0x1], $0x2780, s25, s23, $0x38;
	[tilespmem:$0x1FB80] =	vst v63  }
0x83: {  	_ =	swait.ge [sflag:s21], $0x2780  }
0x84: {  	[sflag:s21] =	ssyncset.done $0x0  }
0x85: {  	[sflag:s21] =	ssyncadd.s32 $0xFFFFD880  }
0x86: {  	_ =	sfence.sel $0x180000  }
0x87: {  	[bflag:$0x0] =	sbarrier.arrive $0xFFFF  }
0x88: {  	p0 =	sne.s32 s0, $0x0;
	_ =	strace $0x90000047  }
0x89: {  	s0 =	sadd.s32 @!p0 $0x100000, s1;
	[bflag:$0x2] =	sbarrier.arrive $0xFFFF  }
0x8a: {  	[sflag:s0] =	ssyncadd.tile.s32 @!p0 $0x1;
	_ =	shalt  }
.Lfunc_end2:
_tile_overlayer_lowered:
.L_overlay_start_2:
0x8b: {  	(tag) =	ssettag $0x2  }
0x8c: {  	s0 =	rddreg [dreg:$0x0];
	s2 =	stileid.u32  }
0x8d: {  	s1 =	rddreg [dreg:$0x1];
	p0 =	sne.s32 s2, $0x0  }
0x8e: {  	s3 =	rddreg [dreg:$0x2];
	[bflag:$0x3] =	sbarrier.arrive $0xFFFF;
	s2 =	simm.s32 @!p0 $0x1C01  }
0x8f: {  	[timem:s3], [sflag:s2] =	dma.local @!p0 [hbm:s0], s1  }
0x90: {  	s0 =	simm.s32 @!p0 $0x1  }
0x91: {  	_ =	swait.ge @!p0 [sflag:s0], s1  }
0x92: {  	s1 =	ssub.s32 @!p0 $0x0, s1;
	[sflag:s0] =	ssyncset.done @!p0 $0x0  }
0x93: {  	[sflag:s0] =	ssyncadd.s32 @!p0 s1  }
0x94: {  	[bflag:$0x3] =	sbarrier.arrive $0xFFFF  }
0x95: {  	_ =	shalt  }

// kernel: kernel.9.cloned.1.call-start
scs
__scs_entry_jumppad:
0x0: {  	(pc) =	sbr.rel $0x88, $3  }
0x1: {  	(tag) =	ssettag $0x0;
	lr =	simm.s32 $0x1  }
0x2: {  	[smem:$0x3F8C] =	sst lr;
	_ =	strace $0xD0000000  }
0x3: {  	_ = 	snop  }
0x4: {  	_ = 	snop  }
0x5: {  	_ = 	snop  }
0x6: {  	_ = 	snop  }
0x7: {  	_ = 	snop  }
__scs_overlays_trampoline_lowered:
0x8: {  	[smem:$0x3F9B] =	sst s0  }
0x9: {  	[smem:$0x3F9C] =	sst s1  }
0xa: {  	[smem:$0x3F9D] =	sst s2  }
0xb: {  	[smem:$0x3F9E] =	sst s3  }
0xc: {  	[smem:$0x3F9F] =	sst s4  }
0xd: {  	[smem:$0x3FA0] =	sst s5  }
0xe: {  	[smem:$0x3FA1] =	sst s6  }
0xf: {  	[smem:$0x3FA2] =	sst s7  }
0x10: {  	[smem:$0x3FA3] =	sst s8  }
0x11: {  	[smem:$0x3FA4] =	sst s9;
	s0 =	simm.s32 @!p0 $0x0  }
0x12: {  	s1 =	sld [smem:$0x3F8A];
	s0 =	simm.s32 @p0 $0x1  }
0x13: {  	[smem:$0x3FA5] =	sst s0;
	s0 =	simm.s32 @!p1 $0x0  }
0x14: {  	s2 =	sld [smem:$0x3F89];
	s0 =	simm.s32 @p1 $0x1  }
0x15: {  	[smem:$0x3FA6] =	sst s0;
	s0 =	simm.s32 @!p2 $0x0  }
0x16: {  	s3 =	sld [smem:$0x3FDB];
	s0 =	simm.s32 @p2 $0x1  }
0x17: {  	s4 =	simm.s32 $0x1BF5;
	[smem:$0x3FA8] =	sst s0  }
0x18: {  	s0 =	sld [smem:$0x3F8B];
	_ =	swait.ge [sflag:s4], $0x0  }
0x19: {  	s7 =	sld [smem:$0x3F8C]  }
0x1a: {  	s8 =	sadd.s32 $0xFFFFE003, lr  }
0x1b: {  	s9 =	sadd.s32 $0xFFFFFEF7, lr;
	s5 =	simm.s32 $0xFFFFFFFF;
	p2 =	slt.u32 s8, $0xFFFFF086  }
0x1c: {  	p1 =	slt.u32 s9, $0xF7A;
	s5 =	simm.s32 @!p2 $0x0  }
0x1d: {  	s5 =	simm.s32 @p1 $0x1;
	p0 =	seq.s32 s7, s2  }
0x1e: {  	s7 =	smul.u32 @!p0 $0xF7A, s2;
	p2 =	seq.s32 @!p0 s5, $0x0  }
0x1f: {  	s9 =	smul.u32 $0xF7A, s1;
	s8 =	simm.s32 @!p0 $0x1BF5;
	p2 =	por !p2, p0  }
0x20: {  	[sflag:s8] =	ssyncset.s32 @!p0 $0xFFFFF086;
	s6 =	sadd.s32 @!p0 s3, s7;
	s7 =	simm.s32 @!p0 $0x108  }
0x21: {  	s3 =	sadd.s32 s3, s9;
	s6 =	sadd.s32 @!p0 $0x88, s6;
	s7 =	simm.s32 @p2 $0x1082  }
0x22: {  	[simem:s7], [sflag:s8] =	dma.local @!p0 [hbm:s6], $0xF7A  }
0x23: {  	s9 =	sor.u32 $0xD0000000, s2;
	s6 =	simm.s32 $0x108;
	_ =	swait.ge @!p0 [sflag:s8], $0x0  }
0x24: {  	s3 =	sadd.s32 $0x88, s3;
	s6 =	simm.s32 @!p1 $0x1082;
	[sflag:s4] =	ssyncset.s32 $0xFFFFF086  }
0x25: {  	[simem:s6], [sflag:s4] =	dma.local [hbm:s3], $0xF7A  }
0x26: {  	[smem:$0x3F8C] =	sst s1;
	(tag) =	ssettag s2;
	_ =	strace s9  }
0x27: {  	s1 =	sld [smem:$0x3F9C]  }
0x28: {  	s2 =	sld [smem:$0x3F9D]  }
0x29: {  	s4 =	sld [smem:$0x3F9F]  }
0x2a: {  	p0 =	seq.s32 s5, $0x0;
	s5 =	sld [smem:$0x3FA0]  }
0x2b: {  	s6 =	sld [smem:$0x3FA1]  }
0x2c: {  	s7 =	sld [smem:$0x3FA2]  }
0x2d: {  	s3 =	simm.s32 $0x108;
	s8 =	sld [smem:$0x3FA3]  }
0x2e: {  	s3 =	simm.s32 @!p0 $0x1082;
	s9 =	sld [smem:$0x3FA4]  }
0x2f: {  	lr =	sadd.s32 s0, s3;
	s0 =	sld [smem:$0x3F9B]  }
0x30: {  	s3 =	sld [smem:$0x3F9E]  }
0x31: {  	[smem:$0x3FA7] =	sst s10  }
0x32: {  	s10 =	sld [smem:$0x3FA5];
	_ =	sdelay $0x3  }
0x33: {  	p0 =	seq.s32 s10, $0x1;
	s10 =	sld [smem:$0x3FA7];
	_ =	sdelay $0x3  }
0x34: {  	[smem:$0x3FA7] =	sst s10  }
0x35: {  	s10 =	sld [smem:$0x3FA6];
	_ =	sdelay $0x3  }
0x36: {  	p1 =	seq.s32 s10, $0x1;
	s10 =	sld [smem:$0x3FA7];
	_ =	sdelay $0x3  }
0x37: {  	[smem:$0x3FA7] =	sst s10  }
0x38: {  	s10 =	sld [smem:$0x3FA8]  }
0x39: {  	_ = 	snop;
	(pc) =	sbr.ind lr, $3  }
0x3a: {  	_ = 	snop  }
0x3b: {  	_ = 	snop  }
0x3c: {  	p2 =	seq.s32 s10, $0x1;
	s10 =	sld [smem:$0x3FA7]  }
0x3d: {  	_ =	shalt  }
0x3e: {  	_ =	shalt  }
0x3f: {  	_ =	shalt  }
0x40: {  	_ =	shalt  }
0x41: {  	_ =	shalt  }
0x42: {  	_ =	shalt  }
0x43: {  	_ =	shalt  }
0x44: {  	_ =	shalt  }
0x45: {  	_ =	shalt  }
0x46: {  	_ =	shalt  }
0x47: {  	_ =	shalt  }
0x48: {  	_ =	shalt  }
0x49: {  	_ =	shalt  }
0x4a: {  	_ =	shalt  }
0x4b: {  	_ =	shalt  }
0x4c: {  	_ =	shalt  }
0x4d: {  	_ =	shalt  }
0x4e: {  	_ =	shalt  }
0x4f: {  	_ =	shalt  }
0x50: {  	_ =	shalt  }
0x51: {  	_ =	shalt  }
0x52: {  	_ =	shalt  }
0x53: {  	_ =	shalt  }
0x54: {  	_ =	shalt  }
0x55: {  	_ =	shalt  }
0x56: {  	_ =	shalt  }
0x57: {  	_ =	shalt  }
0x58: {  	_ =	shalt  }
0x59: {  	_ =	shalt  }
0x5a: {  	_ =	shalt  }
0x5b: {  	_ =	shalt  }
0x5c: {  	_ =	shalt  }
0x5d: {  	_ =	shalt  }
0x5e: {  	_ =	shalt  }
0x5f: {  	_ =	shalt  }
0x60: {  	_ =	shalt  }
0x61: {  	_ =	shalt  }
0x62: {  	_ =	shalt  }
0x63: {  	_ =	shalt  }
0x64: {  	_ =	shalt  }
0x65: {  	_ =	shalt  }
0x66: {  	_ =	shalt  }
0x67: {  	_ =	shalt  }
0x68: {  	_ =	shalt  }
0x69: {  	_ =	shalt  }
0x6a: {  	_ =	shalt  }
0x6b: {  	_ =	shalt  }
0x6c: {  	_ =	shalt  }
0x6d: {  	_ =	shalt  }
0x6e: {  	_ =	shalt  }
0x6f: {  	_ =	shalt  }
0x70: {  	_ =	shalt  }
0x71: {  	_ =	shalt  }
0x72: {  	_ =	shalt  }
0x73: {  	_ =	shalt  }
0x74: {  	_ =	shalt  }
0x75: {  	_ =	shalt  }
0x76: {  	_ =	shalt  }
0x77: {  	_ =	shalt  }
0x78: {  	_ =	shalt  }
0x79: {  	_ =	shalt  }
0x7a: {  	_ =	shalt  }
0x7b: {  	_ =	shalt  }
0x7c: {  	_ =	shalt  }
0x7d: {  	_ =	shalt  }
0x7e: {  	_ =	shalt  }
0x7f: {  	_ =	shalt  }
0x80: {  	_ =	shalt  }
0x81: {  	_ =	shalt  }
0x82: {  	_ =	shalt  }
0x83: {  	_ =	shalt  }
0x84: {  	_ =	shalt  }
0x85: {  	_ =	shalt  }
0x86: {  	_ =	shalt  }
0x87: {  	_ =	shalt  }
.Lfunc_end0:
.L_simem_size_0:
called_computation.1_lowered:
.L_overlay_start_0:
0x88: {  	s2 =	sld [smem:$0x3FD9]  }
0x89: {  	s3 =	sld [smem:$0x3FFE];
	_ =	sdelay $0x1  }
0x8a: {  	s1 =	srdreg.scid  }
0x8b: {  	s0 =	sand.u32 $0x1, s1  }
0x8c: {  	s16 =	sshll.u32 s0, $0xA;
	s2 =	sadd.s32 s3, s2  }
0x8d: {  	s2 =	sadd.s32 s2, s16  }
0x8e: {  	[smem:$0x3FB3] =	sst s2  }
0x8f: {  	_ = 	snop  }
0x90: {  	(tm) =	ssettm $0x1  }
0x91: {  	s17 =	sld [smem:$0x3FFB];
	_ =	sdelay $0x3  }
0x92: {  	_ =	strace s17  }
0x93: {  	s2 =	sld [smem:$0x3FFC];
	_ =	sdelay $0x3  }
0x94: {  	_ =	strace s2  }
0x95: {  	s2 =	sld [smem:$0x3FFD];
	_ =	sdelay $0x3  }
0x96: {  	_ =	strace s2  }
0x97: {  	_ =	strace $0x8FFFFFFF  }
0x98: {  	s18 =	sld [smem:$0x3FDB];
	_ =	sdelay $0x1  }
0x99: {  	s19 =	simm.s32 $_scs_section_size  }
0x9a: {  	s4 =	simm.s32 $_size__tile_overlayer_lowered;
	s5 =	simm.s32 $_tile_overlayer_lowered  }
0x9b: {  	s22 =	simm.s32 $0x1BFF;
	s21 =	sshll.u32 s5, $0x1;
	s2 =	sadd.s32 s19, s18  }
0x9c: {  	s6 =	simm.s32 $0x0;
	s20 =	sshll.u32 s4, $0x1;
	s4 =	sadd.s32 s21, s2  }
0x9d: {  	[timem:s6], [sflag:s22] =	dma.local [hbm:s4], s20  }
0x9e: {  	_ =	swait.ge [sflag:s22], s20  }
0x9f: {  	s3 =	ssub.s32 $0x0, s20;
	[sflag:s22] =	ssyncset.done $0x0  }
0xa0: {  	[sflag:s22] =	ssyncadd.s32 s3;
	_ =	sdelay $0x1  }
0xa1: {  	s23 =	simm.s32 $0x1B8B  }
0xa2: {  	_ =	swait.ge [sflag:s23], $0x1  }
0xa3: {  	[sflag:s23] =	ssyncset.done $0x0  }
0xa4: {  	s25 =	simm.s32 $0x1B8E;
	s24 =	sld [smem:$0x3FFE];
	[sflag:s23] =	ssyncadd.s32 $0xFFFFFFFF  }
0xa5: {  	s26 =	simm.s32 $execute0_lowered;
	[smem:$0x3FD2] =	sst s25  }
0xa6: {  	s4 =	sshll.u32 s26, $0x1;
	_ =	strace $0x80000049;
	[dreg:$0x1] =	wrdreg $0xFFFFFFFF  }
0xa7: {  	s28 =	simm.s32 $_size_execute0_lowered;
	s2 =	sadd.s32 s2, s4;
	[dreg:$0x0] =	wrdreg $0x0  }
0xa8: {  	s4 =	sshll.u32 s28, $0x1;
	[dreg:$0x2] =	wrdreg s2  }
0xa9: {  	[dreg:$0x3] =	wrdreg s4  }
0xaa: {  	[dreg:$0x4] =	wrdreg $0xC0  }
0xab: {  	_ =	task [dreg:s6], $0x5FFFF  }
0xac: {  	[dreg:$0x1] =	wrdreg $0xFFFFFFFF  }
0xad: {  	[dreg:$0x0] =	wrdreg $0x60  }
0xae: {  	[dreg:$0x2] =	wrdreg s24  }
0xaf: {  	[dreg:$0x3] =	wrdreg $0x0  }
0xb0: {  	[dreg:$0x4] =	wrdreg $0x9  }
0xb1: {  	_ =	task.clear_ibuf [dreg:s6], $0x5FFFF;
	_ =	strace $0x90000049  }
0xb2: {  	s29 =	simm.s32 $0x9;
	_ =	strace $0x8000004B  }
0xb3: {  	_ =	swait.ge [sflag:s29], $0x1  }
0xb4: {  	[sflag:s29] =	ssyncadd.s32 $0xFFFFFFFF  }
0xb5: {  	_ =	strace $0x9000004B  }
0xb6: {  	_ =	sfence  }
0xb7: {  	s30 =	sld [smem:$0x0];
	_ =	sdelay $0x2  }
0xb8: {  	s31 =	sshll.u32 s1, $0xD;
	s1 =	sshrl.u32 s1, $0x2  }
0xb9: {  	s3 =	sand.u32 $0x4000, s31;
	s1 =	sadd.s32 s1, s30  }
0xba: {  	s0 =	sor.u32 s3, s0;
	s1 =	sshll.u32 s1, $0x11  }
0xbb: {  	s0 =	sor.u32 s1, s0  }
0xbc: {  	s0 =	sadd.s32 $0x8F2B, s0  }
0xbd: {  	[sflag:s0] =	ssyncadd.remote.s32 $0x1  }
0xbe: {  	_ =	sfence.sel $0xFFFF  }
0xbf: {  	[dreg:$0x0] =	wrdreg $0xFFFFFFFF;
	(pc) =	sbr.abs _section_cstart, $3  }
0xc0: {  	[dreg:$0x1] =	wrdreg $0xFFFFFFFF  }
0xc1: {  	_ =	task.clear_ibuf [dreg:s6], $0x2FFFF;
	_ =	strace $0x9FFFFFFF  }
0xc2: {  	(tm) =	ssettm $0x7FFFFFFF  }
0xc3: {  	_ =	shalt  }
tec
execute0_lowered:
.L_overlay_start_1:
0x0: {  	(tag) =	ssettag $0x1  }
0x1: {  	s6 =	rddreg [dreg:$0x0]  }
0x2: {  	s2 =	rddreg [dreg:$0x1]  }
0x3: {  	s0 =	stileid.u32;
	s3 =	srdreg.scid  }
0x4: {  	s1 =	rddreg [dreg:$0x2];
	s11 =	simm.s32 $0x58;
	s4 =	smul.u32 $0x45, s0  }
0x5: {  	s21 =	simm.s32 $0x80;
	s22 =	simm.s32 $0x0;
	s5 =	smul.u32 $0x58, s0  }
0x6: {  	s8 =	sand.u32 $0x1, s3;
	s3 =	simm.s32 $0x0;
	s7 =	smul.u32 $0x4F000, s0  }
0x7: {  	s13 =	smul.u32 $0x13C00, s0;
	s17 =	sadd.s32 $0x3F800, s6;
	p0 =	seq.s32 s8, $0x0  }
0x8: {  	[smem:$0x7FF] =	sst s3;
	s31 =	ssub.s32 $0x2, s8;
	s19 =	smul.u32 $0x13C000, s8  }
0x9: {  	s4 =	sadd.s32 $0x580, s4;
	_ =	strace $0x8000004A;
	s9 =	sshrl.u32 s31, $0x1  }
0xa: {  	s7 =	sshrl.u32 s7, $0x2;
	s14 =	sadd.s32 $0x4000, s13;
	s15 =	sadd.s32 $0x8000, s13  }
0xb: {  	s16 =	sadd.s32 $0xC000, s13;
	s20 =	sadd.s32 $0x10000, s13;
	s11 =	simm.s32 @!p0 $0x45  }
0xc: {  	s4 =	smov.u32 @p0 s5;
	s18 =	ssub.s32 s31, s9;
	s8 =	sadd.s32 s15, s2  }
0xd: {  	s9 =	sadd.s32 s16, s2;
	s10 =	sadd.s32 s20, s2;
	s13 =	sadd.s32 s13, s19  }
0xe: {  	s15 =	sadd.s32 s19, s15;
	s16 =	sadd.s32 s19, s16;
	s5 =	sshll.u32 s4, $0x5  }
0xf: {  	s4 =	sadd.s32 $0x18600, s6;
	s13 =	sshrl.u32 s13, $0x3;
	s15 =	sshrl.u32 s15, $0x3  }
0x10: {  	s16 =	sshrl.u32 s16, $0x3;
	s18 =	smax.u32 s18, $0x1;
	s12 =	sadd.s32 s5, s6  }
0x11: {  	s5 =	sadd.s32 $0x17E00, s6;
	s6 =	sadd.s32 s7, s2;
	s7 =	sadd.s32 s14, s2  }
0x12: {  	s14 =	sadd.s32 s19, s14;
	s13 =	sadd.s32 s17, s13;
	s19 =	sadd.s32 s19, s20  }
0x13: {  	s15 =	sadd.s32 s17, s15;
	s16 =	sadd.s32 s17, s16;
	s20 =	simm.s32 $0x1  }
0x14: {  	s12 =	sadd.s32 $0x4000, s12;
	s14 =	sshrl.u32 s14, $0x3;
	s19 =	sshrl.u32 s19, $0x3  }
0x15: {  	s14 =	sadd.s32 s17, s14;
	s17 =	sadd.s32 s17, s19;
	s19 =	simm.s32 $0x19400  }
.LBB2_1:
0x16: {  	[tilespmem:s19], [sflag:$0x1] =	stream.linear.gather [hbm4b:s5+s3], $0x4000, $0x38;
	[tilespmem:$0x1D400] =	vst v63  }
0x17: {  	_ =	swait.ge [sflag:s20], $0x4000  }
0x18: {  	[sflag:s20] =	ssyncset.done $0x0  }
0x19: {  	[sflag:s20] =	ssyncadd.s32 $0xFFFFC000  }
0x1a: {  	[spmem:s6] =	stream.linear.scatter [tilespmem:s19], [sflag:$0x1], $0x4000, $0x38;
	[tilespmem:$0x1D400] =	vst v63  }
0x1b: {  	_ =	swait.ge [sflag:s20], $0x4000  }
0x1c: {  	[sflag:s20] =	ssyncset.done $0x0  }
0x1d: {  	[sflag:s20] =	ssyncadd.s32 $0xFFFFC000  }
0x1e: {  	[spmem:s7] =	stream.linear.scatter [tilespmem:s19], [sflag:$0x1], $0x4000, $0x38;
	[tilespmem:$0x1D400] =	vst v63  }
0x1f: {  	_ =	swait.ge [sflag:s20], $0x4000  }
0x20: {  	[sflag:s20] =	ssyncset.done $0x0  }
0x21: {  	[sflag:s20] =	ssyncadd.s32 $0xFFFFC000  }
0x22: {  	[spmem:s8] =	stream.linear.scatter [tilespmem:s19], [sflag:$0x1], $0x4000, $0x38;
	[tilespmem:$0x1D400] =	vst v63  }
0x23: {  	_ =	swait.ge [sflag:s20], $0x4000  }
0x24: {  	[sflag:s20] =	ssyncset.done $0x0  }
0x25: {  	[sflag:s20] =	ssyncadd.s32 $0xFFFFC000  }
0x26: {  	[spmem:s9] =	stream.linear.scatter [tilespmem:s19], [sflag:$0x1], $0x4000, $0x38;
	[tilespmem:$0x1D400] =	vst v63  }
0x27: {  	_ =	swait.ge [sflag:s20], $0x4000  }
0x28: {  	[sflag:s20] =	ssyncset.done $0x0  }
0x29: {  	[sflag:s20] =	ssyncadd.s32 $0xFFFFC000  }
0x2a: {  	[spmem:s10] =	stream.linear.scatter [tilespmem:s19], [sflag:$0x1], $0x3C00, $0x38;
	[tilespmem:$0x1D400] =	vst v63  }
0x2b: {  	_ =	swait.ge [sflag:s20], $0x3C00  }
0x2c: {  	[sflag:s20] =	ssyncset.done $0x0  }
0x2d: {  	[sflag:s20] =	ssyncadd.s32 $0xFFFFC400  }
0x2e: {  	s23 =	simm.s32 $0x13C00;
	[bflag:$0x0] =	sbarrier.arrive $0xFFFF  }
0x2f: {  	[tilespmem:s23], [sflag:$0x1] =	stream.linear.gather [hbm4b:s12+s3], $0x5800, $0x38;
	[tilespmem:$0x1D400] =	vst v63  }
0x30: {  	_ =	swait.ge [sflag:s20], $0x5800  }
0x31: {  	[sflag:s20] =	ssyncset.done $0x0  }
0x32: {  	[sflag:s20] =	ssyncadd.s32 $0xFFFFA800  }
0x33: {  	[tilespmem:s19], [sflag:$0x1] =	stream.indirect.gather [hbm4b:s4+s21], $0x80, s23, s21, $0xb8;
	[tilespmem:$0x1D400] =	vst v63  }
0x34: {  	p0 =	sne.s32 s11, $0x1;
	_ =	swait.ge [sflag:s20], $0x4000  }
.Ltmp0:
0x35: {  	[sflag:s20] =	ssyncset.done $0x0;
	(pc) =	sbr.rel @!p0 .LBB2_3-.Ltmp0, $4  }
0x36: {  	s24 =	simm.s32 $0x13C80;
	[sflag:s20] =	ssyncadd.s32 $0xFFFFC000  }
0x37: {  	[spmem:s2] =	stream.indirect.scatter.add.f32 [tilespmem:s19], [sflag:$0x1], $0x80, s24, s21, $0xb8;
	[tilespmem:$0x1D400] =	vst v63  }
0x38: {  	_ =	swait.ge [sflag:s20], $0x4000  }
0x39: {  	s24 =	sadd.s32 $0xFFFFFFFF, s11;
	[sflag:s20] =	ssyncset.done $0x0  }
.LBB2_2:
0x3a: {  	p0 =	sne.s32 s24, $0x1;
	[sflag:s20] =	ssyncadd.s32 $0xFFFFC000;
	s23 =	sadd.s32 $0x100, s23  }
0x3b: {  	[tilespmem:s19], [sflag:$0x1] =	stream.indirect.gather [hbm4b:s4+s21], $0x80, s23, s21, $0xb8;
	[tilespmem:$0x1D400] =	vst v63  }
0x3c: {  	s24 =	sadd.s32 $0xFFFFFFFF, s24;
	_ =	swait.ge [sflag:s20], $0x4000  }
.Ltmp1:
0x3d: {  	[sflag:s20] =	ssyncset.done $0x0;
	(pc) =	sbr.rel @p0 .LBB2_2-.Ltmp1, $4  }
0x3e: {  	s25 =	sadd.s32 $0x80, s23;
	[sflag:s20] =	ssyncadd.s32 $0xFFFFC000  }
0x3f: {  	[spmem:s2] =	stream.indirect.scatter.add.f32 [tilespmem:s19], [sflag:$0x1], $0x80, s25, s21, $0xb8;
	[tilespmem:$0x1D400] =	vst v63  }
0x40: {  	_ =	swait.ge [sflag:s20], $0x4000  }
0x41: {  	[sflag:s20] =	ssyncset.done $0x0  }
.LBB2_3:
0x42: {  	[sflag:s20] =	ssyncadd.s32 $0xFFFFC000  }
0x43: {  	[bflag:$0x0] =	sbarrier.arrive $0xFFFF  }
0x44: {  	[tilespmem:s19], [sflag:$0x1] =	stream.linear.gather [spmem:s6], $0x4000, $0x38;
	[tilespmem:$0x1D400] =	vst v63  }
0x45: {  	_ =	swait.ge [sflag:s20], $0x4000  }
0x46: {  	[sflag:s20] =	ssyncset.done $0x0  }
0x47: {  	[sflag:s20] =	ssyncadd.s32 $0xFFFFC000  }
0x48: {  	[hbm4b:s13+s3] =	stream.linear.scatter [tilespmem:s19], [sflag:$0x1], $0x4000, $0x38;
	[tilespmem:$0x1D400] =	vst v63  }
0x49: {  	_ =	swait.ge [sflag:s20], $0x4000  }
0x4a: {  	[sflag:s20] =	ssyncset.done $0x0  }
0x4b: {  	[sflag:s20] =	ssyncadd.s32 $0xFFFFC000  }
0x4c: {  	[tilespmem:s19], [sflag:$0x1] =	stream.linear.gather [spmem:s7], $0x4000, $0x38;
	[tilespmem:$0x1D400] =	vst v63  }
0x4d: {  	_ =	swait.ge [sflag:s20], $0x4000  }
0x4e: {  	[sflag:s20] =	ssyncset.done $0x0  }
0x4f: {  	[sflag:s20] =	ssyncadd.s32 $0xFFFFC000  }
0x50: {  	[hbm4b:s14+s3] =	stream.linear.scatter [tilespmem:s19], [sflag:$0x1], $0x4000, $0x38;
	[tilespmem:$0x1D400] =	vst v63  }
0x51: {  	_ =	swait.ge [sflag:s20], $0x4000  }
0x52: {  	[sflag:s20] =	ssyncset.done $0x0  }
0x53: {  	[sflag:s20] =	ssyncadd.s32 $0xFFFFC000  }
0x54: {  	[tilespmem:s19], [sflag:$0x1] =	stream.linear.gather [spmem:s8], $0x4000, $0x38;
	[tilespmem:$0x1D400] =	vst v63  }
0x55: {  	_ =	swait.ge [sflag:s20], $0x4000  }
0x56: {  	[sflag:s20] =	ssyncset.done $0x0  }
0x57: {  	[sflag:s20] =	ssyncadd.s32 $0xFFFFC000  }
0x58: {  	[hbm4b:s15+s3] =	stream.linear.scatter [tilespmem:s19], [sflag:$0x1], $0x4000, $0x38;
	[tilespmem:$0x1D400] =	vst v63  }
0x59: {  	_ =	swait.ge [sflag:s20], $0x4000  }
0x5a: {  	[sflag:s20] =	ssyncset.done $0x0  }
0x5b: {  	[sflag:s20] =	ssyncadd.s32 $0xFFFFC000  }
0x5c: {  	[tilespmem:s19], [sflag:$0x1] =	stream.linear.gather [spmem:s9], $0x4000, $0x38;
	[tilespmem:$0x1D400] =	vst v63  }
0x5d: {  	_ =	swait.ge [sflag:s20], $0x4000  }
0x5e: {  	[sflag:s20] =	ssyncset.done $0x0  }
0x5f: {  	[sflag:s20] =	ssyncadd.s32 $0xFFFFC000  }
0x60: {  	[hbm4b:s16+s3] =	stream.linear.scatter [tilespmem:s19], [sflag:$0x1], $0x4000, $0x38;
	[tilespmem:$0x1D400] =	vst v63  }
0x61: {  	_ =	swait.ge [sflag:s20], $0x4000  }
0x62: {  	[sflag:s20] =	ssyncset.done $0x0  }
0x63: {  	[sflag:s20] =	ssyncadd.s32 $0xFFFFC000  }
0x64: {  	[tilespmem:s19], [sflag:$0x1] =	stream.linear.gather [spmem:s10], $0x3C00, $0x38;
	[tilespmem:$0x1D400] =	vst v63  }
0x65: {  	s22 =	sadd.s32 $0x1, s22;
	_ =	swait.ge [sflag:s20], $0x3C00  }
0x66: {  	p0 =	sne.s32 s22, s18;
	[sflag:s20] =	ssyncset.done $0x0  }
.Ltmp2:
0x67: {  	[sflag:s20] =	ssyncadd.s32 $0xFFFFC400;
	(pc) =	sbr.rel @p0 .LBB2_1-.Ltmp2, $4  }
0x68: {  	[hbm4b:s17+s3] =	stream.linear.scatter [tilespmem:s19], [sflag:$0x1], $0x3C00, $0x38;
	[tilespmem:$0x1D400] =	vst v63  }
0x69: {  	_ =	swait.ge [sflag:s20], $0x3C00  }
0x6a: {  	[sflag:s20] =	ssyncset.done $0x0  }
0x6b: {  	[sflag:s20] =	ssyncadd.s32 $0xFFFFC400  }
0x6c: {  	_ =	sfence.sel $0x180000  }
0x6d: {  	[bflag:$0x0] =	sbarrier.arrive $0xFFFF  }
0x6e: {  	p0 =	sne.s32 s0, $0x0;
	_ =	strace $0x9000004A  }
0x6f: {  	s0 =	sadd.s32 @!p0 $0x100000, s1;
	[bflag:$0x2] =	sbarrier.arrive $0xFFFF  }
0x70: {  	[sflag:s0] =	ssyncadd.tile.s32 @!p0 $0x1;
	_ =	shalt  }
.Lfunc_end2:
_tile_overlayer_lowered:
.L_overlay_start_2:
0x71: {  	(tag) =	ssettag $0x2  }
0x72: {  	s0 =	rddreg [dreg:$0x0];
	s2 =	stileid.u32  }
0x73: {  	s1 =	rddreg [dreg:$0x1];
	p0 =	sne.s32 s2, $0x0  }
0x74: {  	s3 =	rddreg [dreg:$0x2];
	[bflag:$0x3] =	sbarrier.arrive $0xFFFF;
	s2 =	simm.s32 @!p0 $0x1C01  }
0x75: {  	[timem:s3], [sflag:s2] =	dma.local @!p0 [hbm:s0], s1  }
0x76: {  	s0 =	simm.s32 @!p0 $0x1  }
0x77: {  	_ =	swait.ge @!p0 [sflag:s0], s1  }
0x78: {  	s1 =	ssub.s32 @!p0 $0x0, s1;
	[sflag:s0] =	ssyncset.done @!p0 $0x0  }
0x79: {  	[sflag:s0] =	ssyncadd.s32 @!p0 s1  }
0x7a: {  	[bflag:$0x3] =	sbarrier.arrive $0xFFFF  }
0x7b: {  	_ =	shalt  }

</sc_bundles>
